<compile_context>
chip_gen: v7x
topology: tpu7x:2x2x1
jax: 0.10.2.dev20260603
libtpu: 0.0.44.dev20260713+nightly
codegen_flags: <defaults>
</compile_context>

<pallas_src>
import functools

import jax
import jax.numpy as jnp
from jax import lax
from jax.experimental import pallas as pl
from jax.experimental.pallas import tpu as pltpu

_F32 = jnp.float32
_BF16 = jnp.bfloat16


def _split(a):
    hi = a.astype(_BF16)
    return hi, (a - hi.astype(_F32)).astype(_BF16)


def _mm3(a, b, dims=(((1,), (0,)), ((), ()))):
    ah, al = _split(a)
    bh, bl = _split(b)

    def d(u, v):
        return lax.dot_general(u, v, dims, preferred_element_type=_F32)

    return d(ah, bh) + d(ah, bl) + d(al, bh)


def _mm1(a, b, dims=(((1,), (0,)), ((), ()))):
    return lax.dot_general(a.astype(_BF16), b.astype(_BF16), dims,
                           preferred_element_type=_F32)


_DIMS_T = (((1,), (1,)), ((), ()))



def _pool_axis(y, axis):
    w = y.shape[axis] - 2

    def sl(s, e):
        return lax.slice_in_dim(y, s, e, axis=axis)

    m = jnp.maximum(jnp.maximum(sl(0, w), sl(1, w + 1)), sl(2, w + 2))
    if w % 2 == 1:
        m = jnp.concatenate([m, lax.slice_in_dim(m, 0, 1, axis=axis)],
                            axis=axis)
    shape = list(m.shape)
    shape[axis:axis + 1] = [shape[axis] // 2, 2]
    m = m.reshape(shape)
    return lax.index_in_dim(m, 0, axis=axis + 1, keepdims=False)

def _conv_body(x_ref, w_ref, b_ref, o_ref, acc_ref, *, kh, kw, ho, wo, nb, co,
               pool, pack):
    c = x_ref.shape[-1]
    acc_ref[...] = jnp.zeros_like(acc_ref)

    if pack:
        prs = (kw + 1) // 2

        def tap(q, carry):
            a, pr = q // prs, q % prs
            x0 = x_ref[pl.ds(a, ho), pl.ds(2 * pr, wo), :, :]
            x1 = x_ref[pl.ds(a, ho), pl.ds(2 * pr + 1, wo), :, :]
            xs = jnp.concatenate([x0, x1], axis=-1)
            xs = xs.reshape(ho * wo * nb, 2 * c)
            acc_ref[...] += _mm1(xs, w_ref[q, :, :])
            return carry

        lax.fori_loop(0, kh * prs, tap, 0)
    else:
        def tap(t, carry):
            a, b = t // kw, t % kw
            xs = x_ref[pl.ds(a, ho), pl.ds(b, wo), :, :]
            xs = xs.reshape(ho * wo * nb, c)
            acc_ref[...] += _mm1(xs, w_ref[t, :, :])
            return carry

        lax.fori_loop(0, kh * kw, tap, 0)
    y = jnp.maximum(acc_ref[...] + b_ref[...], 0.0)
    y = y.reshape(ho, wo, nb, co)
    if pool:
        y = _pool_axis(_pool_axis(y, 0), 1)
    o_ref[...] = y


def _conv(x, w, b, kh, kw, nb, pool, pack=False):
    hp, wp, n, c = x.shape
    t, ck, co = w.shape
    ho, wo = hp - kh + 1, wp - kw + 1
    if pack:
        wo = wp - kw
    if pool:
        oh = ow = (ho - 3) // 2 + 1
    else:
        oh, ow = ho, wo
    body = functools.partial(_conv_body, kh=kh, kw=kw, ho=ho, wo=wo, nb=nb,
                             co=co, pool=pool, pack=pack)
    return pl.pallas_call(
        body,
        grid=(n // nb,),
        in_specs=[
            pl.BlockSpec((hp, wp, nb, c), lambda i: (0, 0, i, 0)),
            pl.BlockSpec((t, ck, co), lambda i: (0, 0, 0)),
            pl.BlockSpec((1, co), lambda i: (0, 0)),
        ],
        out_specs=pl.BlockSpec((oh, ow, nb, co), lambda i: (0, 0, i, 0)),
        out_shape=jax.ShapeDtypeStruct((oh, ow, n, co), _F32),
        scratch_shapes=[pltpu.VMEM((ho * wo * nb, co), _F32)],
    )(x, w, b.reshape(1, co))


def _conv1_body(xa_ref, xb_ref, w_ref, b_ref, o_ref, acc_ref, *, hb, wo, nb,
                co):
    c = xa_ref.shape[-1]
    acc_ref[...] = jnp.zeros_like(acc_ref)

    def sl(t):
        a, b = t // 3, t % 3
        if a == 0:
            return xa_ref[:, b:b + wo, :, :]
        return jnp.concatenate(
            [xa_ref[a:hb, b:b + wo, :, :], xb_ref[0:a, b:b + wo, :, :]],
            axis=0)

    for q in range(5):
        x0 = sl(2 * q)
        x1 = sl(2 * q + 1) if 2 * q + 1 < 9 else x0
        xs = jnp.concatenate([x0, x1], axis=-1).reshape(hb * wo * nb, 2 * c)
        acc_ref[...] += _mm1(xs, w_ref[q, :, :])
    y = jnp.maximum(acc_ref[...] + b_ref[...], 0.0)
    o_ref[...] = y.reshape(hb, wo, nb, co)


def _conv1(x, w, b, nb, hb=8):
    hp, wp, n, c = x.shape
    t, ck, co = w.shape
    wo = wp - 2
    nh = hp // hb - 1
    body = functools.partial(_conv1_body, hb=hb, wo=wo, nb=nb, co=co)
    return pl.pallas_call(
        body,
        grid=(n // nb, nh),
        in_specs=[
            pl.BlockSpec((hb, wp, nb, c), lambda i, j: (j, 0, i, 0)),
            pl.BlockSpec((hb, wp, nb, c), lambda i, j: (j + 1, 0, i, 0)),
            pl.BlockSpec((t, ck, co), lambda i, j: (0, 0, 0)),
            pl.BlockSpec((1, co), lambda i, j: (0, 0)),
        ],
        out_specs=pl.BlockSpec((hb, wo, nb, co), lambda i, j: (j, 0, i, 0)),
        out_shape=jax.ShapeDtypeStruct((nh * hb, wo, n, co), _F32),
        scratch_shapes=[pltpu.VMEM((hb * wo * nb, co), _F32)],
    )(x, x, w, b.reshape(1, co))


def _pool_body(x_ref, o_ref):
    o_ref[...] = _pool_axis(_pool_axis(x_ref[...], 0), 1)


def _pool(x, nb):
    h, w, n, c = x.shape
    ph, pw = (h - 3) // 2 + 1, (w - 3) // 2 + 1
    return pl.pallas_call(
        _pool_body,
        grid=(n // nb,),
        in_specs=[pl.BlockSpec((h, w, nb, c), lambda i: (0, 0, i, 0))],
        out_specs=pl.BlockSpec((ph, pw, nb, c), lambda i: (0, 0, i, 0)),
        out_shape=jax.ShapeDtypeStruct((ph, pw, n, c), _F32),
    )(x)



def _fc(x, w, b, relu, bo=None, bk=None):
    m, kdim = x.shape
    o = w.shape[0]
    bo = bo or o
    bk = bk or kdim
    no, nk = o // bo, kdim // bk

    def body(x_ref, w_ref, b_ref, o_ref, acc_ref):
        kk = pl.program_id(1)
        part = _mm1(x_ref[...], w_ref[...], _DIMS_T)

        @pl.when(kk == 0)
        def _():
            acc_ref[...] = part

        @pl.when(kk > 0)
        def _():
            acc_ref[...] += part

        @pl.when(kk == nk - 1)
        def _():
            y = acc_ref[...] + b_ref[...]
            if relu:
                y = jnp.maximum(y, 0.0)
            o_ref[...] = y

    return pl.pallas_call(
        body,
        grid=(no, nk),
        in_specs=[
            pl.BlockSpec((m, bk), lambda i, j: (0, j)),
            pl.BlockSpec((bo, bk), lambda i, j: (i, j)),
            pl.BlockSpec((1, bo), lambda i, j: (0, i)),
        ],
        out_specs=pl.BlockSpec((m, bo), lambda i, j: (0, i)),
        out_shape=jax.ShapeDtypeStruct((m, o), _F32),
        scratch_shapes=[pltpu.VMEM((m, bo), _F32)],
    )(x, w, b.reshape(1, o))



def _tail_body(h_ref, c_ref, flw_ref, flb_ref, e_ref, d1w_ref, d1b_ref,
               d2w_ref, d2b_ref, d3w_ref, d3b_ref, d4w_ref, d4b_ref,
               d5w_ref, d5b_ref, d6w_ref, d6b_ref,
               loss_ref, xr_ref, perp_ref):
    n = h_ref.shape[0]
    hc = jnp.concatenate([h_ref[...], c_ref[...]], axis=-1)
    x = _mm1(hc, flw_ref[...], _DIMS_T) + flb_ref[...]
    e = e_ref[...]
    ne, dm = e.shape
    x2 = jnp.sum(x * x, axis=1, keepdims=True)
    e2 = lax.dot_general(jnp.ones((1, dm), _F32), e * e, _DIMS_T,
                         precision=lax.Precision.HIGHEST,
                         preferred_element_type=_F32)
    xe = _mm1(x, e, _DIMS_T)
    d = x2 + e2 - 2.0 * xe
    iota = lax.broadcasted_iota(jnp.int32, (n, ne), 1)
    dmin = jnp.min(d, axis=1, keepdims=True)
    idx = jnp.min(jnp.where(d == dmin, iota, ne), axis=1, keepdims=True)
    enc = (iota == idx).astype(_F32)
    q = _mm1(enc, e)
    diff = q - x
    ss = jnp.sum(jnp.sum(diff * diff, axis=1, keepdims=True), axis=0,
                 keepdims=True)
    loss_ref[...] = 0.25 * ss / (n * dm)
    avg = jnp.sum(enc, axis=0, keepdims=True) / n
    ent = jnp.sum(avg * jnp.log(avg + 1e-10), axis=1, keepdims=True)
    perp_ref[...] = jnp.exp(-ent)
    v = jnp.maximum(_mm1(q, d1w_ref[...], _DIMS_T) + d1b_ref[...], 0.0)
    v = jnp.maximum(_mm1(v, d2w_ref[...], _DIMS_T) + d2b_ref[...], 0.0)
    c2 = jnp.maximum(_mm1(c_ref[...], d3w_ref[...], _DIMS_T) + d3b_ref[...],
                     0.0)
    v = jnp.concatenate([v, c2], axis=-1)
    v = jnp.maximum(_mm1(v, d4w_ref[...], _DIMS_T) + d4b_ref[...], 0.0)
    v = jnp.maximum(_mm1(v, d5w_ref[...], _DIMS_T) + d5b_ref[...], 0.0)
    xr_ref[...] = _mm1(v, d6w_ref[...], _DIMS_T) + d6b_ref[...]


def _tail(h, c, p):
    n = h.shape[0]
    args = [h, c, p["e_flw"], p["e_flb"].reshape(1, -1), p["emb"]]
    for k in ("d_fc1", "d_fc2", "d_fc3", "d_fc4", "d_fc5", "d_fc6"):
        args += [p[k + "w"], p[k + "b"].reshape(1, -1)]
    loss, xr, perp = pl.pallas_call(
        _tail_body,
        out_shape=(jax.ShapeDtypeStruct((1, 1), _F32),
                   jax.ShapeDtypeStruct((n, 72), _F32),
                   jax.ShapeDtypeStruct((1, 1), _F32)),
    )(*args)
    return loss.reshape(()), xr, perp.reshape(())



def _vq(latent, emb):
    n, dm = latent.shape
    ne = emb.shape[0]

    def body(x_ref, e_ref, loss_ref, q_ref, perp_ref):
        x = x_ref[...]
        e = e_ref[...]
        x2 = jnp.sum(x * x, axis=1, keepdims=True)
        e2 = lax.dot_general(jnp.ones((1, dm), _F32), e * e, _DIMS_T,
                             precision=lax.Precision.HIGHEST,
                             preferred_element_type=_F32)
        xe = _mm1(x, e, _DIMS_T)
        d = x2 + e2 - 2.0 * xe
        iota = lax.broadcasted_iota(jnp.int32, (n, ne), 1)
        dmin = jnp.min(d, axis=1, keepdims=True)
        idx = jnp.min(jnp.where(d == dmin, iota, ne), axis=1, keepdims=True)
        enc = (iota == idx).astype(_F32)
        q = _mm1(enc, e)
        diff = q - x
        ss = jnp.sum(jnp.sum(diff * diff, axis=1, keepdims=True), axis=0,
                     keepdims=True)
        loss_ref[...] = 0.25 * ss / (n * dm)
        q_ref[...] = q
        avg = jnp.sum(enc, axis=0, keepdims=True) / n
        ent = jnp.sum(avg * jnp.log(avg + 1e-10), axis=1, keepdims=True)
        perp_ref[...] = jnp.exp(-ent)

    loss, q, perp = pl.pallas_call(
        body,
        out_shape=(jax.ShapeDtypeStruct((1, 1), _F32),
                   jax.ShapeDtypeStruct((n, dm), _F32),
                   jax.ShapeDtypeStruct((1, 1), _F32)),
    )(latent, emb)
    return loss.reshape(()), q, perp.reshape(())



def kernel(x, pose, img, img_crop, img_zoom, params):
    p = params
    imgs = jnp.concatenate([img, img_crop, img_zoom], axis=0)
    imgs = jnp.pad(imgs, ((0, 0), (0, 1), (2, 30), (2, 2)))
    xd = imgs.reshape(48, 4, 64, 4, 57, 4).transpose(2, 4, 0, 3, 5, 1)
    xd = xd.reshape(64, 57, 48, 64)
    w1 = jnp.pad(p["c1w"], ((0, 0), (0, 1), (0, 1), (0, 1)))
    w1 = w1.reshape(64, 4, 3, 4, 3, 4).transpose(2, 4, 3, 5, 1, 0)
    w1 = jnp.pad(w1.reshape(9, 64, 64), ((0, 1), (0, 0), (0, 0)))
    w1 = w1.reshape(5, 128, 64)
    y = _conv1(xd, w1, p["c1b"], nb=8)
    y = _pool(y, nb=8)
    y = jnp.pad(y, ((2, 2), (2, 3), (0, 0), (0, 0)))
    w2 = p["c2w"].transpose(2, 3, 1, 0)
    w2 = jnp.pad(w2, ((0, 0), (0, 1), (0, 0), (0, 0)))
    w2 = w2.reshape(15, 128, 192)
    y = _conv(y, w2, p["c2b"], 5, 5, nb=8, pool=True, pack=True)
    y = jnp.pad(y, ((1, 1), (1, 1), (0, 0), (0, 0)))
    w3 = p["c3w"].transpose(2, 3, 1, 0).reshape(9, 192, 384)
    y = _conv(y, w3, p["c3b"], 3, 3, nb=16, pool=False)
    y = jnp.pad(y, ((1, 1), (1, 1), (0, 0), (0, 0)))
    w4 = p["c4w"].transpose(2, 3, 1, 0).reshape(9, 384, 256)
    y = _conv(y, w4, p["c4b"], 3, 3, nb=16, pool=False)
    y = jnp.pad(y, ((1, 1), (1, 1), (0, 0), (0, 0)))
    w5 = p["c5w"].transpose(2, 3, 1, 0).reshape(9, 256, 256)
    y = _conv(y, w5, p["c5b"], 3, 3, nb=16, pool=True)
    feat = y.transpose(2, 3, 0, 1).reshape(48, 9216)
    f = _fc(feat, p["fc6w"], p["fc6b"], True, bo=512, bk=2304)
    f = _fc(f, p["fc7w"], p["fc7b"], True, bo=512, bk=2048)
    f1, f2, f3 = f[0:16], f[16:32], f[32:48]
    pf = _fc(pose, p["ce_fc1w"], p["ce_fc1b"], True)
    hcat = jnp.concatenate([pf, f1, f2, f3], axis=1)
    c = _fc(hcat, p["ce_fc2w"], p["ce_fc2b"], True, bo=512, bk=3328)
    h = _fc(x, p["e_fc1w"], p["e_fc1b"], True)
    h = _fc(h, p["e_fc2w"], p["e_fc2b"], True)
    loss, xr, perp = _tail(h, c, p)
    return loss, xr, perp

# --- scband reference (transcript-rebuilt; emitter-appended) ---
"""Pipeline reference for scband-vq-vae-11845519802891 (READ-ONLY COPY).

The authoritative reference and input builder live on the scoring server;
editing this copy changes nothing except your own understanding.
"""

import jax, jax.numpy as jnp
import numpy as np

B = 16
POSE_DIM = 72
SD_DIM = 72
FC_DIM = 1024
LATENT_DIM = 256
NUM_EMB = 1024
COMMIT = 0.25


def conv2d(x, w, b, stride, pad):
    y = jax.lax.conv_general_dilated(x, w, (stride, stride), [(pad, pad), (pad, pad)], dimension_numbers=("NCHW", "OIHW", "NCHW"))
    return y + b[None, :, None, None]


def maxpool3x3s2(x):
    return jax.lax.reduce_window(x, -jnp.inf, jax.lax.max, (1, 1, 3, 3), (1, 1, 2, 2), "VALID")


def alexnet_fc7(x, p):
    # torchvision AlexNet features -> adaptive avgpool(6,6) (identity for 224 input) -> flatten -> classifier up to fc7 ReLU (dropout = identity in eval)
    x = jax.nn.relu(conv2d(x, p["c1w"], p["c1b"], 4, 2))
    x = maxpool3x3s2(x)
    x = jax.nn.relu(conv2d(x, p["c2w"], p["c2b"], 1, 2))
    x = maxpool3x3s2(x)
    x = jax.nn.relu(conv2d(x, p["c3w"], p["c3b"], 1, 1))
    x = jax.nn.relu(conv2d(x, p["c4w"], p["c4b"], 1, 1))
    x = jax.nn.relu(conv2d(x, p["c5w"], p["c5b"], 1, 1))
    x = maxpool3x3s2(x)
    x = x.reshape(x.shape[0], -1)
    x = jax.nn.relu(x @ p["fc6w"].T + p["fc6b"])
    x = jax.nn.relu(x @ p["fc7w"].T + p["fc7b"])
    return x


def condition_encoder(pose, img, img_crop, img_zoom, p):
    pf = jax.nn.relu(pose @ p["ce_fc1w"].T + p["ce_fc1b"])
    f1 = alexnet_fc7(img, p)
    f2 = alexnet_fc7(img_crop, p)
    f3 = alexnet_fc7(img_zoom, p)
    h = jnp.concatenate([pf, f1, f2, f3], axis=1)
    return jax.nn.relu(h @ p["ce_fc2w"].T + p["ce_fc2b"])


def vq_ema(inputs, emb, commitment_cost):
    d = jnp.sum(inputs ** 2, axis=1, keepdims=True) + jnp.sum(emb ** 2, axis=1) - 2.0 * (inputs @ emb.T)
    idx = jnp.argmin(d, axis=1)
    enc = jax.nn.one_hot(idx, emb.shape[0], dtype=inputs.dtype)
    quantized = enc @ emb
    # EMA buffer updates do not affect this pass's outputs (quantized computed before update); omitted.
    e_latent_loss = jnp.mean((jax.lax.stop_gradient(quantized) - inputs) ** 2)
    loss = commitment_cost * e_latent_loss
    quantized = inputs + jax.lax.stop_gradient(quantized - inputs)
    avg = jnp.mean(enc, axis=0)
    perplexity = jnp.exp(-jnp.sum(avg * jnp.log(avg + 1e-10)))
    return loss, quantized, perplexity


def model_forward(x, pose, img, img_crop, img_zoom, p):
    # Encoder
    h = jax.nn.relu(x @ p["e_fc1w"].T + p["e_fc1b"])
    h = jax.nn.relu(h @ p["e_fc2w"].T + p["e_fc2b"])
    c = condition_encoder(pose, img, img_crop, img_zoom, p)
    latent = jnp.concatenate([h, c], axis=1) @ p["e_flw"].T + p["e_flb"]
    loss, q, perp = vq_ema(latent, p["emb"], COMMIT)
    # Decoder (calls the shared condition encoder a second time, as in torch)
    d = jax.nn.relu(q @ p["d_fc1w"].T + p["d_fc1b"])
    d = jax.nn.relu(d @ p["d_fc2w"].T + p["d_fc2b"])
    c2 = condition_encoder(pose, img, img_crop, img_zoom, p)
    c2 = jax.nn.relu(c2 @ p["d_fc3w"].T + p["d_fc3b"])
    d = jnp.concatenate([d, c2], axis=1)
    d = jax.nn.relu(d @ p["d_fc4w"].T + p["d_fc4b"])
    d = jax.nn.relu(d @ p["d_fc5w"].T + p["d_fc5b"])
    x_recon = d @ p["d_fc6w"].T + p["d_fc6b"]
    return loss, x_recon, perp


def setup_inputs(seed: int = 0) -> dict:
    key = jax.random.key(seed)
    ks = iter(jax.random.split(key, 64))
    p = {}

    def rn(shape, scale=0.02):
        return jax.random.normal(next(ks), shape, jnp.float32) * scale

    def lin(name, out_f, in_f):
        p[name + "w"] = rn((out_f, in_f))
        p[name + "b"] = jnp.zeros((out_f,), jnp.float32)

    # AlexNet backbone weights
    p["c1w"] = rn((64, 3, 11, 11)); p["c1b"] = jnp.zeros((64,), jnp.float32)
    p["c2w"] = rn((192, 64, 5, 5)); p["c2b"] = jnp.zeros((192,), jnp.float32)
    p["c3w"] = rn((384, 192, 3, 3)); p["c3b"] = jnp.zeros((384,), jnp.float32)
    p["c4w"] = rn((256, 384, 3, 3)); p["c4b"] = jnp.zeros((256,), jnp.float32)
    p["c5w"] = rn((256, 256, 3, 3)); p["c5b"] = jnp.zeros((256,), jnp.float32)
    lin("fc6", 4096, 9216)
    lin("fc7", 4096, 4096)
    # ConditionEncoder
    lin("ce_fc1", FC_DIM, POSE_DIM)
    lin("ce_fc2", FC_DIM, FC_DIM + 3 * 4096)
    # Encoder
    lin("e_fc1", FC_DIM, SD_DIM)
    lin("e_fc2", FC_DIM, FC_DIM)
    lin("e_fl", LATENT_DIM, 2 * FC_DIM)
    # Decoder
    lin("d_fc1", FC_DIM, LATENT_DIM)
    lin("d_fc2", FC_DIM, FC_DIM)
    lin("d_fc3", FC_DIM, FC_DIM)
    lin("d_fc4", FC_DIM, 2 * FC_DIM)
    lin("d_fc5", FC_DIM, FC_DIM)
    lin("d_fc6", SD_DIM, FC_DIM)
    # VQ codebook (normal_() init per torch)
    p["emb"] = jax.random.normal(next(ks), (NUM_EMB, LATENT_DIM), jnp.float32)

    x = jax.random.normal(next(ks), (B, SD_DIM), jnp.float32)
    pose = jax.random.normal(next(ks), (B, POSE_DIM), jnp.float32)
    img = jax.random.normal(next(ks), (B, 3, 224, 224), jnp.float32)
    img_crop = jax.random.normal(next(ks), (B, 3, 224, 224), jnp.float32)
    img_zoom = jax.random.normal(next(ks), (B, 3, 224, 224), jnp.float32)
    return {"x": x, "pose": pose, "img": img, "img_crop": img_crop, "img_zoom": img_zoom, "params": p}


def reference(x, pose, img, img_crop, img_zoom, params):
    return model_forward(x, pose, img, img_crop, img_zoom, params)

if __name__ == "__main__":
    import jax
    _d = setup_inputs()
    print(jax.jit(kernel)(*tuple(_d.values())))

</pallas_src>

<mosaic_0001>
module attributes {stable_mosaic.version = 14 : i64} {
  func.func @body(%arg0: i32, %arg1: i32, %arg2: memref<16x72xf32, #tpu.memory_space<vmem>>, %arg3: memref<1024x72xf32, #tpu.memory_space<vmem>>, %arg4: memref<1x1024xf32, #tpu.memory_space<vmem>>, %arg5: memref<16x1024xf32, #tpu.memory_space<vmem>>, %arg6: memref<16x1024xf32, #tpu.memory_space<vmem>>) attributes {dimension_semantics = [#tpu.dimension_semantics<arbitrary>, #tpu.dimension_semantics<arbitrary>], iteration_bounds = array<i64: 1, 1>, scalar_prefetch = 0 : i64, scratch_operands = 1 : i64, tpu.core_type = #tpu.core_type<tc>, window_params = [{transform_indices = @transform_0, window_bounds = array<i64: 16, 72>}, {transform_indices = @transform_1, window_bounds = array<i64: 1024, 72>}, {transform_indices = @transform_2, window_bounds = array<i64: 1, 1024>}, {transform_indices = @transform_3, window_bounds = array<i64: 16, 1024>}]} {
    %get3A = arith.constant 0 : index
    %get3A_0 = arith.constant 0 : index
    %get3A_1 = vector.load %arg2[%get3A, %get3A_0] : memref<16x72xf32, #tpu.memory_space<vmem>>, vector<16x72xf32>
    %get3A_2 = arith.constant 0 : index
    %get3A_3 = arith.constant 0 : index
    %get3A_4 = vector.load %arg3[%get3A_2, %get3A_3] : memref<1024x72xf32, #tpu.memory_space<vmem>>, vector<1024x72xf32>
    %convert_element_type3A = arith.truncf %get3A_1 : vector<16x72xf32> to vector<16x72xbf16>
    %convert_element_type3A_5 = arith.truncf %get3A_4 : vector<1024x72xf32> to vector<1024x72xbf16>
    %dot_general3A = arith.constant dense<0.000000e+00> : vector<16x1024xf32>
    %dot_general3A_6 = tpu.matmul %convert_element_type3A, %convert_element_type3A_5, %dot_general3A {dimension_numbers = #tpu.dot_dimension_numbers<[1], [1], [0], [0], [0, 0, 1, 0], [], []>, transpose_lhs_hint = false} : vector<16x72xbf16>, vector<1024x72xbf16>, vector<16x1024xf32> -> vector<16x1024xf32>
    %eq3A = arith.constant 0 : i32
    %eq3A_7 = arith.cmpi eq, %arg1, %eq3A : i32
    %convert_element_type3A_8 = arith.extui %eq3A_7 : i1 to i32
    %cond3A = arith.constant 0 : i32
    %cond3A_9 = arith.cmpi ne, %convert_element_type3A_8, %cond3A : i32
    scf.if %cond3A_9 {
      %swap3A = arith.constant 0 : index
      %swap3A_19 = arith.constant 0 : index
      %swap3A_20 = vector.load %arg6[%swap3A, %swap3A_19] : memref<16x1024xf32, #tpu.memory_space<vmem>>, vector<16x1024xf32>
      tpu.vector_store %arg6[%swap3A, %swap3A_19], %dot_general3A_6 {strides = array<i32>} : memref<16x1024xf32, #tpu.memory_space<vmem>>, vector<16x1024xf32>,
    } else {
    }
    %gt3A = arith.constant 0 : i32
    %gt3A_10 = arith.cmpi sgt, %arg1, %gt3A : i32
    %convert_element_type3A_11 = arith.extui %gt3A_10 : i1 to i32
    %cond3A_12 = arith.constant 0 : i32
    %cond3A_13 = arith.cmpi ne, %convert_element_type3A_11, %cond3A_12 : i32
    scf.if %cond3A_13 {
      %get3A_19 = arith.constant 0 : index
      %get3A_20 = arith.constant 0 : index
      %get3A_21 = vector.load %arg6[%get3A_19, %get3A_20] : memref<16x1024xf32, #tpu.memory_space<vmem>>, vector<16x1024xf32>
      %add3A = arith.addf %get3A_21, %dot_general3A_6 : vector<16x1024xf32>
      %swap3A = arith.constant 0 : index
      %swap3A_22 = arith.constant 0 : index
      %swap3A_23 = vector.load %arg6[%swap3A, %swap3A_22] : memref<16x1024xf32, #tpu.memory_space<vmem>>, vector<16x1024xf32>
      tpu.vector_store %arg6[%swap3A, %swap3A_22], %add3A {strides = array<i32>} : memref<16x1024xf32, #tpu.memory_space<vmem>>, vector<16x1024xf32>,
    } else {
    }
    %eq3A_14 = arith.constant 0 : i32
    %eq3A_15 = arith.cmpi eq, %arg1, %eq3A_14 : i32
    %convert_element_type3A_16 = arith.extui %eq3A_15 : i1 to i32
    %cond3A_17 = arith.constant 0 : i32
    %cond3A_18 = arith.cmpi ne, %convert_element_type3A_16, %cond3A_17 : i32
    scf.if %cond3A_18 {
      %get3A_19 = arith.constant 0 : index
      %get3A_20 = arith.constant 0 : index
      %get3A_21 = vector.load %arg6[%get3A_19, %get3A_20] : memref<16x1024xf32, #tpu.memory_space<vmem>>, vector<16x1024xf32>
      %get3A_22 = arith.constant 0 : index
      %get3A_23 = arith.constant 0 : index
      %get3A_24 = vector.load %arg4[%get3A_22, %get3A_23] : memref<1x1024xf32, #tpu.memory_space<vmem>>, vector<1x1024xf32>
      %add3A = vector.broadcast %get3A_24 : vector<1x1024xf32> to vector<16x1024xf32>
      %add3A_25 = arith.addf %get3A_21, %add3A : vector<16x1024xf32>
      %max3A = arith.constant 0.000000e+00 : f32
      %max3A_26 = vector.broadcast %max3A : f32 to vector<16x1024xf32>
      %max3A_27 = arith.maximumf %add3A_25, %max3A_26 : vector<16x1024xf32>
      %swap3A = arith.constant 0 : index
      %swap3A_28 = arith.constant 0 : index
      %swap3A_29 = vector.load %arg5[%swap3A, %swap3A_28] : memref<16x1024xf32, #tpu.memory_space<vmem>>, vector<16x1024xf32>
      tpu.vector_store %arg5[%swap3A, %swap3A_28], %max3A_27 {strides = array<i32>} : memref<16x1024xf32, #tpu.memory_space<vmem>>, vector<16x1024xf32>,
    } else {
    }
    return
  }
  func.func @transform_0(%arg0: i32, %arg1: i32) -> (i32, i32) {
    %c0_i32 = arith.constant 0 : i32
    %c0_i32_0 = arith.constant 0 : i32
    return %c0_i32, %arg1 : i32, i32
  }
  func.func @transform_1(%arg0: i32, %arg1: i32) -> (i32, i32) {
    %c0_i32 = arith.constant 0 : i32
    return %arg0, %arg1 : i32, i32
  }
  func.func @transform_2(%arg0: i32, %arg1: i32) -> (i32, i32) {
    %c0_i32 = arith.constant 0 : i32
    %c0_i32_0 = arith.constant 0 : i32
    return %c0_i32, %arg0 : i32, i32
  }
  func.func @transform_3(%arg0: i32, %arg1: i32) -> (i32, i32) {
    %c0_i32 = arith.constant 0 : i32
    %c0_i32_0 = arith.constant 0 : i32
    return %c0_i32, %arg0 : i32, i32
  }
}

module attributes {stable_mosaic.version = 14 : i64} {
  func.func @body(%arg0: i32, %arg1: i32, %arg2: memref<16x1024xf32, #tpu.memory_space<vmem>>, %arg3: memref<1024x1024xf32, #tpu.memory_space<vmem>>, %arg4: memref<1x1024xf32, #tpu.memory_space<vmem>>, %arg5: memref<16x1024xf32, #tpu.memory_space<vmem>>, %arg6: memref<16x1024xf32, #tpu.memory_space<vmem>>) attributes {dimension_semantics = [#tpu.dimension_semantics<arbitrary>, #tpu.dimension_semantics<arbitrary>], iteration_bounds = array<i64: 1, 1>, scalar_prefetch = 0 : i64, scratch_operands = 1 : i64, tpu.core_type = #tpu.core_type<tc>, window_params = [{transform_indices = @transform_0, window_bounds = array<i64: 16, 1024>}, {transform_indices = @transform_1, window_bounds = array<i64: 1024, 1024>}, {transform_indices = @transform_2, window_bounds = array<i64: 1, 1024>}, {transform_indices = @transform_3, window_bounds = array<i64: 16, 1024>}]} {
    %get3A = arith.constant 0 : index
    %get3A_0 = arith.constant 0 : index
    %get3A_1 = vector.load %arg2[%get3A, %get3A_0] : memref<16x1024xf32, #tpu.memory_space<vmem>>, vector<16x1024xf32>
    %get3A_2 = arith.constant 0 : index
    %get3A_3 = arith.constant 0 : index
    %get3A_4 = vector.load %arg3[%get3A_2, %get3A_3] : memref<1024x1024xf32, #tpu.memory_space<vmem>>, vector<1024x1024xf32>
    %convert_element_type3A = arith.truncf %get3A_1 : vector<16x1024xf32> to vector<16x1024xbf16>
    %convert_element_type3A_5 = arith.truncf %get3A_4 : vector<1024x1024xf32> to vector<1024x1024xbf16>
    %dot_general3A = arith.constant dense<0.000000e+00> : vector<16x1024xf32>
    %dot_general3A_6 = tpu.matmul %convert_element_type3A, %convert_element_type3A_5, %dot_general3A {dimension_numbers = #tpu.dot_dimension_numbers<[1], [1], [0], [0], [0, 0, 1, 0], [], []>, transpose_lhs_hint = false} : vector<16x1024xbf16>, vector<1024x1024xbf16>, vector<16x1024xf32> -> vector<16x1024xf32>
    %eq3A = arith.constant 0 : i32
    %eq3A_7 = arith.cmpi eq, %arg1, %eq3A : i32
    %convert_element_type3A_8 = arith.extui %eq3A_7 : i1 to i32
    %cond3A = arith.constant 0 : i32
    %cond3A_9 = arith.cmpi ne, %convert_element_type3A_8, %cond3A : i32
    scf.if %cond3A_9 {
      %swap3A = arith.constant 0 : index
      %swap3A_19 = arith.constant 0 : index
      %swap3A_20 = vector.load %arg6[%swap3A, %swap3A_19] : memref<16x1024xf32, #tpu.memory_space<vmem>>, vector<16x1024xf32>
      tpu.vector_store %arg6[%swap3A, %swap3A_19], %dot_general3A_6 {strides = array<i32>} : memref<16x1024xf32, #tpu.memory_space<vmem>>, vector<16x1024xf32>,
    } else {
    }
    %gt3A = arith.constant 0 : i32
    %gt3A_10 = arith.cmpi sgt, %arg1, %gt3A : i32
    %convert_element_type3A_11 = arith.extui %gt3A_10 : i1 to i32
    %cond3A_12 = arith.constant 0 : i32
    %cond3A_13 = arith.cmpi ne, %convert_element_type3A_11, %cond3A_12 : i32
    scf.if %cond3A_13 {
      %get3A_19 = arith.constant 0 : index
      %get3A_20 = arith.constant 0 : index
      %get3A_21 = vector.load %arg6[%get3A_19, %get3A_20] : memref<16x1024xf32, #tpu.memory_space<vmem>>, vector<16x1024xf32>
      %add3A = arith.addf %get3A_21, %dot_general3A_6 : vector<16x1024xf32>
      %swap3A = arith.constant 0 : index
      %swap3A_22 = arith.constant 0 : index
      %swap3A_23 = vector.load %arg6[%swap3A, %swap3A_22] : memref<16x1024xf32, #tpu.memory_space<vmem>>, vector<16x1024xf32>
      tpu.vector_store %arg6[%swap3A, %swap3A_22], %add3A {strides = array<i32>} : memref<16x1024xf32, #tpu.memory_space<vmem>>, vector<16x1024xf32>,
    } else {
    }
    %eq3A_14 = arith.constant 0 : i32
    %eq3A_15 = arith.cmpi eq, %arg1, %eq3A_14 : i32
    %convert_element_type3A_16 = arith.extui %eq3A_15 : i1 to i32
    %cond3A_17 = arith.constant 0 : i32
    %cond3A_18 = arith.cmpi ne, %convert_element_type3A_16, %cond3A_17 : i32
    scf.if %cond3A_18 {
      %get3A_19 = arith.constant 0 : index
      %get3A_20 = arith.constant 0 : index
      %get3A_21 = vector.load %arg6[%get3A_19, %get3A_20] : memref<16x1024xf32, #tpu.memory_space<vmem>>, vector<16x1024xf32>
      %get3A_22 = arith.constant 0 : index
      %get3A_23 = arith.constant 0 : index
      %get3A_24 = vector.load %arg4[%get3A_22, %get3A_23] : memref<1x1024xf32, #tpu.memory_space<vmem>>, vector<1x1024xf32>
      %add3A = vector.broadcast %get3A_24 : vector<1x1024xf32> to vector<16x1024xf32>
      %add3A_25 = arith.addf %get3A_21, %add3A : vector<16x1024xf32>
      %max3A = arith.constant 0.000000e+00 : f32
      %max3A_26 = vector.broadcast %max3A : f32 to vector<16x1024xf32>
      %max3A_27 = arith.maximumf %add3A_25, %max3A_26 : vector<16x1024xf32>
      %swap3A = arith.constant 0 : index
      %swap3A_28 = arith.constant 0 : index
      %swap3A_29 = vector.load %arg5[%swap3A, %swap3A_28] : memref<16x1024xf32, #tpu.memory_space<vmem>>, vector<16x1024xf32>
      tpu.vector_store %arg5[%swap3A, %swap3A_28], %max3A_27 {strides = array<i32>} : memref<16x1024xf32, #tpu.memory_space<vmem>>, vector<16x1024xf32>,
    } else {
    }
    return
  }
  func.func @transform_0(%arg0: i32, %arg1: i32) -> (i32, i32) {
    %c0_i32 = arith.constant 0 : i32
    %c0_i32_0 = arith.constant 0 : i32
    return %c0_i32, %arg1 : i32, i32
  }
  func.func @transform_1(%arg0: i32, %arg1: i32) -> (i32, i32) {
    %c0_i32 = arith.constant 0 : i32
    return %arg0, %arg1 : i32, i32
  }
  func.func @transform_2(%arg0: i32, %arg1: i32) -> (i32, i32) {
    %c0_i32 = arith.constant 0 : i32
    %c0_i32_0 = arith.constant 0 : i32
    return %c0_i32, %arg0 : i32, i32
  }
  func.func @transform_3(%arg0: i32, %arg1: i32) -> (i32, i32) {
    %c0_i32 = arith.constant 0 : i32
    %c0_i32_0 = arith.constant 0 : i32
    return %c0_i32, %arg0 : i32, i32
  }
}

module attributes {stable_mosaic.version = 14 : i64} {
  func.func @_conv1_body(%arg0: i32, %arg1: i32, %arg2: memref<8x57x8x64xf32, #tpu.memory_space<vmem>>, %arg3: memref<8x57x8x64xf32, #tpu.memory_space<vmem>>, %arg4: memref<5x128x64xf32, #tpu.memory_space<vmem>>, %arg5: memref<1x64xf32, #tpu.memory_space<vmem>>, %arg6: memref<8x55x8x64xf32, #tpu.memory_space<vmem>>, %arg7: memref<3520x64xf32, #tpu.memory_space<vmem>>) attributes {dimension_semantics = [#tpu.dimension_semantics<arbitrary>, #tpu.dimension_semantics<arbitrary>], iteration_bounds = array<i64: 6, 7>, scalar_prefetch = 0 : i64, scratch_operands = 1 : i64, tpu.core_type = #tpu.core_type<tc>, window_params = [{transform_indices = @transform_0, window_bounds = array<i64: 8, 57, 8, 64>}, {transform_indices = @transform_1, window_bounds = array<i64: 8, 57, 8, 64>}, {pipeline_mode = #tpu.pipeline_mode<synchronous>, transform_indices = @transform_2, window_bounds = array<i64: 5, 128, 64>}, {pipeline_mode = #tpu.pipeline_mode<synchronous>, transform_indices = @transform_3, window_bounds = array<i64: 1, 64>}, {transform_indices = @transform_4, window_bounds = array<i64: 8, 55, 8, 64>}]} {
    %broadcast_in_dim3A = arith.constant 0.000000e+00 : f32
    %broadcast_in_dim3A_0 = vector.broadcast %broadcast_in_dim3A : f32 to vector<3520x64xf32>
    %swap3A = arith.constant 0 : index
    %swap3A_1 = arith.constant 0 : index
    %swap3A_2 = vector.load %arg7[%swap3A, %swap3A_1] : memref<3520x64xf32, #tpu.memory_space<vmem>>, vector<3520x64xf32>
    tpu.vector_store %arg7[%swap3A, %swap3A_1], %broadcast_in_dim3A_0 {strides = array<i32>} : memref<3520x64xf32, #tpu.memory_space<vmem>>, vector<3520x64xf32>,
    %get3A = arith.constant 0 : index
    %get3A_3 = arith.constant 0 : index
    %get3A_4 = arith.constant 0 : index
    %get3A_5 = arith.constant 0 : index
    %get3A_6 = vector.load %arg2[%get3A, %get3A_3, %get3A_4, %get3A_5] : memref<8x57x8x64xf32, #tpu.memory_space<vmem>>, vector<8x55x8x64xf32>
    %get3A_7 = arith.constant 0 : index
    %get3A_8 = arith.constant 1 : index
    %get3A_9 = arith.constant 0 : index
    %get3A_10 = arith.constant 0 : index
    %get3A_11 = vector.load %arg2[%get3A_7, %get3A_8, %get3A_9, %get3A_10] : memref<8x57x8x64xf32, #tpu.memory_space<vmem>>, vector<8x55x8x64xf32>
    %concatenate3A = tpu.concatenate %get3A_6, %get3A_11 in 3 : vector<8x55x8x64xf32>, vector<8x55x8x64xf32> -> vector<8x55x8x128xf32>
    %reshape3A = vector.shape_cast %concatenate3A : vector<8x55x8x128xf32> to vector<3520x128xf32>
    %get3A_12 = arith.constant 0 : index
    %get3A_13 = arith.constant 0 : index
    %get3A_14 = vector.load %arg7[%get3A_12, %get3A_13] : memref<3520x64xf32, #tpu.memory_space<vmem>>, vector<3520x64xf32>
    %get3A_15 = arith.constant 0 : index
    %get3A_16 = arith.constant 0 : index
    %get3A_17 = arith.constant 0 : index
    %get3A_18 = vector.load %arg4[%get3A_15, %get3A_16, %get3A_17] : memref<5x128x64xf32, #tpu.memory_space<vmem>>, vector<1x128x64xf32>
    %get3A_19 = vector.shape_cast %get3A_18 : vector<1x128x64xf32> to vector<128x64xf32>
    %convert_element_type3A = arith.truncf %reshape3A : vector<3520x128xf32> to vector<3520x128xbf16>
    %convert_element_type3A_20 = arith.truncf %get3A_19 : vector<128x64xf32> to vector<128x64xbf16>
    %dot_general3A = arith.constant dense<0.000000e+00> : vector<3520x64xf32>
    %dot_general3A_21 = tpu.matmul %convert_element_type3A, %convert_element_type3A_20, %dot_general3A {dimension_numbers = #tpu.dot_dimension_numbers<[1], [0], [0], [1], [0, 0, 1, 1], [], []>, transpose_lhs_hint = false} : vector<3520x128xbf16>, vector<128x64xbf16>, vector<3520x64xf32> -> vector<3520x64xf32>
    %add3A = arith.addf %get3A_14, %dot_general3A_21 : vector<3520x64xf32>
    %swap3A_22 = arith.constant 0 : index
    %swap3A_23 = arith.constant 0 : index
    %swap3A_24 = vector.load %arg7[%swap3A_22, %swap3A_23] : memref<3520x64xf32, #tpu.memory_space<vmem>>, vector<3520x64xf32>
    tpu.vector_store %arg7[%swap3A_22, %swap3A_23], %add3A {strides = array<i32>} : memref<3520x64xf32, #tpu.memory_space<vmem>>, vector<3520x64xf32>,
    %get3A_25 = arith.constant 0 : index
    %get3A_26 = arith.constant 2 : index
    %get3A_27 = arith.constant 0 : index
    %get3A_28 = arith.constant 0 : index
    %get3A_29 = vector.load %arg2[%get3A_25, %get3A_26, %get3A_27, %get3A_28] : memref<8x57x8x64xf32, #tpu.memory_space<vmem>>, vector<8x55x8x64xf32>
    %get3A_30 = arith.constant 1 : index
    %get3A_31 = arith.constant 0 : index
    %get3A_32 = arith.constant 0 : index
    %get3A_33 = arith.constant 0 : index
    %get3A_34 = vector.load %arg2[%get3A_30, %get3A_31, %get3A_32, %get3A_33] : memref<8x57x8x64xf32, #tpu.memory_space<vmem>>, vector<7x55x8x64xf32>
    %get3A_35 = arith.constant 0 : index
    %get3A_36 = arith.constant 0 : index
    %get3A_37 = arith.constant 0 : index
    %get3A_38 = arith.constant 0 : index
    %get3A_39 = vector.load %arg3[%get3A_35, %get3A_36, %get3A_37, %get3A_38] : memref<8x57x8x64xf32, #tpu.memory_space<vmem>>, vector<1x55x8x64xf32>
    %concatenate3A_40 = tpu.concatenate %get3A_34, %get3A_39 in 0 : vector<7x55x8x64xf32>, vector<1x55x8x64xf32> -> vector<8x55x8x64xf32>
    %concatenate3A_41 = tpu.concatenate %get3A_29, %concatenate3A_40 in 3 : vector<8x55x8x64xf32>, vector<8x55x8x64xf32> -> vector<8x55x8x128xf32>
    %reshape3A_42 = vector.shape_cast %concatenate3A_41 : vector<8x55x8x128xf32> to vector<3520x128xf32>
    %get3A_43 = arith.constant 0 : index
    %get3A_44 = arith.constant 0 : index
    %get3A_45 = vector.load %arg7[%get3A_43, %get3A_44] : memref<3520x64xf32, #tpu.memory_space<vmem>>, vector<3520x64xf32>
    %get3A_46 = arith.constant 1 : index
    %get3A_47 = arith.constant 0 : index
    %get3A_48 = arith.constant 0 : index
    %get3A_49 = vector.load %arg4[%get3A_46, %get3A_47, %get3A_48] : memref<5x128x64xf32, #tpu.memory_space<vmem>>, vector<1x128x64xf32>
    %get3A_50 = vector.shape_cast %get3A_49 : vector<1x128x64xf32> to vector<128x64xf32>
    %convert_element_type3A_51 = arith.truncf %reshape3A_42 : vector<3520x128xf32> to vector<3520x128xbf16>
    %convert_element_type3A_52 = arith.truncf %get3A_50 : vector<128x64xf32> to vector<128x64xbf16>
    %dot_general3A_53 = arith.constant dense<0.000000e+00> : vector<3520x64xf32>
    %dot_general3A_54 = tpu.matmul %convert_element_type3A_51, %convert_element_type3A_52, %dot_general3A_53 {dimension_numbers = #tpu.dot_dimension_numbers<[1], [0], [0], [1], [0, 0, 1, 1], [], []>, transpose_lhs_hint = false} : vector<3520x128xbf16>, vector<128x64xbf16>, vector<3520x64xf32> -> vector<3520x64xf32>
    %add3A_55 = arith.addf %get3A_45, %dot_general3A_54 : vector<3520x64xf32>
    %swap3A_56 = arith.constant 0 : index
    %swap3A_57 = arith.constant 0 : index
    %swap3A_58 = vector.load %arg7[%swap3A_56, %swap3A_57] : memref<3520x64xf32, #tpu.memory_space<vmem>>, vector<3520x64xf32>
    tpu.vector_store %arg7[%swap3A_56, %swap3A_57], %add3A_55 {strides = array<i32>} : memref<3520x64xf32, #tpu.memory_space<vmem>>, vector<3520x64xf32>,
    %get3A_59 = arith.constant 1 : index
    %get3A_60 = arith.constant 1 : index
    %get3A_61 = arith.constant 0 : index
    %get3A_62 = arith.constant 0 : index
    %get3A_63 = vector.load %arg2[%get3A_59, %get3A_60, %get3A_61, %get3A_62] : memref<8x57x8x64xf32, #tpu.memory_space<vmem>>, vector<7x55x8x64xf32>
    %get3A_64 = arith.constant 0 : index
    %get3A_65 = arith.constant 1 : index
    %get3A_66 = arith.constant 0 : index
    %get3A_67 = arith.constant 0 : index
    %get3A_68 = vector.load %arg3[%get3A_64, %get3A_65, %get3A_66, %get3A_67] : memref<8x57x8x64xf32, #tpu.memory_space<vmem>>, vector<1x55x8x64xf32>
    %concatenate3A_69 = tpu.concatenate %get3A_63, %get3A_68 in 0 : vector<7x55x8x64xf32>, vector<1x55x8x64xf32> -> vector<8x55x8x64xf32>
    %get3A_70 = arith.constant 1 : index
    %get3A_71 = arith.constant 2 : index
    %get3A_72 = arith.constant 0 : index
    %get3A_73 = arith.constant 0 : index
    %get3A_74 = vector.load %arg2[%get3A_70, %get3A_71, %get3A_72, %get3A_73] : memref<8x57x8x64xf32, #tpu.memory_space<vmem>>, vector<7x55x8x64xf32>
    %get3A_75 = arith.constant 0 : index
    %get3A_76 = arith.constant 2 : index
    %get3A_77 = arith.constant 0 : index
    %get3A_78 = arith.constant 0 : index
    %get3A_79 = vector.load %arg3[%get3A_75, %get3A_76, %get3A_77, %get3A_78] : memref<8x57x8x64xf32, #tpu.memory_space<vmem>>, vector<1x55x8x64xf32>
    %concatenate3A_80 = tpu.concatenate %get3A_74, %get3A_79 in 0 : vector<7x55x8x64xf32>, vector<1x55x8x64xf32> -> vector<8x55x8x64xf32>
    %concatenate3A_81 = tpu.concatenate %concatenate3A_69, %concatenate3A_80 in 3 : vector<8x55x8x64xf32>, vector<8x55x8x64xf32> -> vector<8x55x8x128xf32>
    %reshape3A_82 = vector.shape_cast %concatenate3A_81 : vector<8x55x8x128xf32> to vector<3520x128xf32>
    %get3A_83 = arith.constant 0 : index
    %get3A_84 = arith.constant 0 : index
    %get3A_85 = vector.load %arg7[%get3A_83, %get3A_84] : memref<3520x64xf32, #tpu.memory_space<vmem>>, vector<3520x64xf32>
    %get3A_86 = arith.constant 2 : index
    %get3A_87 = arith.constant 0 : index
    %get3A_88 = arith.constant 0 : index
    %get3A_89 = vector.load %arg4[%get3A_86, %get3A_87, %get3A_88] : memref<5x128x64xf32, #tpu.memory_space<vmem>>, vector<1x128x64xf32>
    %get3A_90 = vector.shape_cast %get3A_89 : vector<1x128x64xf32> to vector<128x64xf32>
    %convert_element_type3A_91 = arith.truncf %reshape3A_82 : vector<3520x128xf32> to vector<3520x128xbf16>
    %convert_element_type3A_92 = arith.truncf %get3A_90 : vector<128x64xf32> to vector<128x64xbf16>
    %dot_general3A_93 = arith.constant dense<0.000000e+00> : vector<3520x64xf32>
    %dot_general3A_94 = tpu.matmul %convert_element_type3A_91, %convert_element_type3A_92, %dot_general3A_93 {dimension_numbers = #tpu.dot_dimension_numbers<[1], [0], [0], [1], [0, 0, 1, 1], [], []>, transpose_lhs_hint = false} : vector<3520x128xbf16>, vector<128x64xbf16>, vector<3520x64xf32> -> vector<3520x64xf32>
    %add3A_95 = arith.addf %get3A_85, %dot_general3A_94 : vector<3520x64xf32>
    %swap3A_96 = arith.constant 0 : index
    %swap3A_97 = arith.constant 0 : index
    %swap3A_98 = vector.load %arg7[%swap3A_96, %swap3A_97] : memref<3520x64xf32, #tpu.memory_space<vmem>>, vector<3520x64xf32>
    tpu.vector_store %arg7[%swap3A_96, %swap3A_97], %add3A_95 {strides = array<i32>} : memref<3520x64xf32, #tpu.memory_space<vmem>>, vector<3520x64xf32>,
    %get3A_99 = arith.constant 2 : index
    %get3A_100 = arith.constant 0 : index
    %get3A_101 = arith.constant 0 : index
    %get3A_102 = arith.constant 0 : index
    %get3A_103 = vector.load %arg2[%get3A_99, %get3A_100, %get3A_101, %get3A_102] : memref<8x57x8x64xf32, #tpu.memory_space<vmem>>, vector<6x55x8x64xf32>
    %get3A_104 = arith.constant 0 : index
    %get3A_105 = arith.constant 0 : index
    %get3A_106 = arith.constant 0 : index
    %get3A_107 = arith.constant 0 : index
    %get3A_108 = vector.load %arg3[%get3A_104, %get3A_105, %get3A_106, %get3A_107] : memref<8x57x8x64xf32, #tpu.memory_space<vmem>>, vector<2x55x8x64xf32>
    %concatenate3A_109 = tpu.concatenate %get3A_103, %get3A_108 in 0 : vector<6x55x8x64xf32>, vector<2x55x8x64xf32> -> vector<8x55x8x64xf32>
    %get3A_110 = arith.constant 2 : index
    %get3A_111 = arith.constant 1 : index
    %get3A_112 = arith.constant 0 : index
    %get3A_113 = arith.constant 0 : index
    %get3A_114 = vector.load %arg2[%get3A_110, %get3A_111, %get3A_112, %get3A_113] : memref<8x57x8x64xf32, #tpu.memory_space<vmem>>, vector<6x55x8x64xf32>
    %get3A_115 = arith.constant 0 : index
    %get3A_116 = arith.constant 1 : index
    %get3A_117 = arith.constant 0 : index
    %get3A_118 = arith.constant 0 : index
    %get3A_119 = vector.load %arg3[%get3A_115, %get3A_116, %get3A_117, %get3A_118] : memref<8x57x8x64xf32, #tpu.memory_space<vmem>>, vector<2x55x8x64xf32>
    %concatenate3A_120 = tpu.concatenate %get3A_114, %get3A_119 in 0 : vector<6x55x8x64xf32>, vector<2x55x8x64xf32> -> vector<8x55x8x64xf32>
    %concatenate3A_121 = tpu.concatenate %concatenate3A_109, %concatenate3A_120 in 3 : vector<8x55x8x64xf32>, vector<8x55x8x64xf32> -> vector<8x55x8x128xf32>
    %reshape3A_122 = vector.shape_cast %concatenate3A_121 : vector<8x55x8x128xf32> to vector<3520x128xf32>
    %get3A_123 = arith.constant 0 : index
    %get3A_124 = arith.constant 0 : index
    %get3A_125 = vector.load %arg7[%get3A_123, %get3A_124] : memref<3520x64xf32, #tpu.memory_space<vmem>>, vector<3520x64xf32>
    %get3A_126 = arith.constant 3 : index
    %get3A_127 = arith.constant 0 : index
    %get3A_128 = arith.constant 0 : index
    %get3A_129 = vector.load %arg4[%get3A_126, %get3A_127, %get3A_128] : memref<5x128x64xf32, #tpu.memory_space<vmem>>, vector<1x128x64xf32>
    %get3A_130 = vector.shape_cast %get3A_129 : vector<1x128x64xf32> to vector<128x64xf32>
    %convert_element_type3A_131 = arith.truncf %reshape3A_122 : vector<3520x128xf32> to vector<3520x128xbf16>
    %convert_element_type3A_132 = arith.truncf %get3A_130 : vector<128x64xf32> to vector<128x64xbf16>
    %dot_general3A_133 = arith.constant dense<0.000000e+00> : vector<3520x64xf32>
    %dot_general3A_134 = tpu.matmul %convert_element_type3A_131, %convert_element_type3A_132, %dot_general3A_133 {dimension_numbers = #tpu.dot_dimension_numbers<[1], [0], [0], [1], [0, 0, 1, 1], [], []>, transpose_lhs_hint = false} : vector<3520x128xbf16>, vector<128x64xbf16>, vector<3520x64xf32> -> vector<3520x64xf32>
    %add3A_135 = arith.addf %get3A_125, %dot_general3A_134 : vector<3520x64xf32>
    %swap3A_136 = arith.constant 0 : index
    %swap3A_137 = arith.constant 0 : index
    %swap3A_138 = vector.load %arg7[%swap3A_136, %swap3A_137] : memref<3520x64xf32, #tpu.memory_space<vmem>>, vector<3520x64xf32>
    tpu.vector_store %arg7[%swap3A_136, %swap3A_137], %add3A_135 {strides = array<i32>} : memref<3520x64xf32, #tpu.memory_space<vmem>>, vector<3520x64xf32>,
    %get3A_139 = arith.constant 2 : index
    %get3A_140 = arith.constant 2 : index
    %get3A_141 = arith.constant 0 : index
    %get3A_142 = arith.constant 0 : index
    %get3A_143 = vector.load %arg2[%get3A_139, %get3A_140, %get3A_141, %get3A_142] : memref<8x57x8x64xf32, #tpu.memory_space<vmem>>, vector<6x55x8x64xf32>
    %get3A_144 = arith.constant 0 : index
    %get3A_145 = arith.constant 2 : index
    %get3A_146 = arith.constant 0 : index
    %get3A_147 = arith.constant 0 : index
    %get3A_148 = vector.load %arg3[%get3A_144, %get3A_145, %get3A_146, %get3A_147] : memref<8x57x8x64xf32, #tpu.memory_space<vmem>>, vector<2x55x8x64xf32>
    %concatenate3A_149 = tpu.concatenate %get3A_143, %get3A_148 in 0 : vector<6x55x8x64xf32>, vector<2x55x8x64xf32> -> vector<8x55x8x64xf32>
    %concatenate3A_150 = tpu.concatenate %concatenate3A_149, %concatenate3A_149 in 3 : vector<8x55x8x64xf32>, vector<8x55x8x64xf32> -> vector<8x55x8x128xf32>
    %reshape3A_151 = vector.shape_cast %concatenate3A_150 : vector<8x55x8x128xf32> to vector<3520x128xf32>
    %get3A_152 = arith.constant 0 : index
    %get3A_153 = arith.constant 0 : index
    %get3A_154 = vector.load %arg7[%get3A_152, %get3A_153] : memref<3520x64xf32, #tpu.memory_space<vmem>>, vector<3520x64xf32>
    %get3A_155 = arith.constant 4 : index
    %get3A_156 = arith.constant 0 : index
    %get3A_157 = arith.constant 0 : index
    %get3A_158 = vector.load %arg4[%get3A_155, %get3A_156, %get3A_157] : memref<5x128x64xf32, #tpu.memory_space<vmem>>, vector<1x128x64xf32>
    %get3A_159 = vector.shape_cast %get3A_158 : vector<1x128x64xf32> to vector<128x64xf32>
    %convert_element_type3A_160 = arith.truncf %reshape3A_151 : vector<3520x128xf32> to vector<3520x128xbf16>
    %convert_element_type3A_161 = arith.truncf %get3A_159 : vector<128x64xf32> to vector<128x64xbf16>
    %dot_general3A_162 = arith.constant dense<0.000000e+00> : vector<3520x64xf32>
    %dot_general3A_163 = tpu.matmul %convert_element_type3A_160, %convert_element_type3A_161, %dot_general3A_162 {dimension_numbers = #tpu.dot_dimension_numbers<[1], [0], [0], [1], [0, 0, 1, 1], [], []>, transpose_lhs_hint = false} : vector<3520x128xbf16>, vector<128x64xbf16>, vector<3520x64xf32> -> vector<3520x64xf32>
    %add3A_164 = arith.addf %get3A_154, %dot_general3A_163 : vector<3520x64xf32>
    %swap3A_165 = arith.constant 0 : index
    %swap3A_166 = arith.constant 0 : index
    %swap3A_167 = vector.load %arg7[%swap3A_165, %swap3A_166] : memref<3520x64xf32, #tpu.memory_space<vmem>>, vector<3520x64xf32>
    tpu.vector_store %arg7[%swap3A_165, %swap3A_166], %add3A_164 {strides = array<i32>} : memref<3520x64xf32, #tpu.memory_space<vmem>>, vector<3520x64xf32>,
    %get3A_168 = arith.constant 0 : index
    %get3A_169 = arith.constant 0 : index
    %get3A_170 = vector.load %arg7[%get3A_168, %get3A_169] : memref<3520x64xf32, #tpu.memory_space<vmem>>, vector<3520x64xf32>
    %get3A_171 = arith.constant 0 : index
    %get3A_172 = arith.constant 0 : index
    %get3A_173 = vector.load %arg5[%get3A_171, %get3A_172] : memref<1x64xf32, #tpu.memory_space<vmem>>, vector<1x64xf32>
    %add3A_174 = vector.broadcast %get3A_173 : vector<1x64xf32> to vector<3520x64xf32>
    %add3A_175 = arith.addf %get3A_170, %add3A_174 : vector<3520x64xf32>
    %max3A = arith.constant 0.000000e+00 : f32
    %max3A_176 = vector.broadcast %max3A : f32 to vector<3520x64xf32>
    %max3A_177 = arith.maximumf %add3A_175, %max3A_176 : vector<3520x64xf32>
    %reshape3A_178 = vector.shape_cast %max3A_177 : vector<3520x64xf32> to vector<8x55x8x64xf32>
    %swap3A_179 = arith.constant 0 : index
    %swap3A_180 = arith.constant 0 : index
    %swap3A_181 = arith.constant 0 : index
    %swap3A_182 = arith.constant 0 : index
    %swap3A_183 = vector.load %arg6[%swap3A_179, %swap3A_180, %swap3A_181, %swap3A_182] : memref<8x55x8x64xf32, #tpu.memory_space<vmem>>, vector<8x55x8x64xf32>
    tpu.vector_store %arg6[%swap3A_179, %swap3A_180, %swap3A_181, %swap3A_182], %reshape3A_178 {strides = array<i32>} : memref<8x55x8x64xf32, #tpu.memory_space<vmem>>, vector<8x55x8x64xf32>,
    return
  }
  func.func @transform_0(%arg0: i32, %arg1: i32) -> (i32, i32, i32, i32) {
    %c0_i32 = arith.constant 0 : i32
    %c0_i32_0 = arith.constant 0 : i32
    %c0_i32_1 = arith.constant 0 : i32
    return %arg1, %c0_i32, %arg0, %c0_i32_0 : i32, i32, i32, i32
  }
  func.func @transform_1(%arg0: i32, %arg1: i32) -> (i32, i32, i32, i32) {
    %add3A = arith.constant 1 : i32
    %add3A_0 = arith.addi %arg1, %add3A : i32
    %c0_i32 = arith.constant 0 : i32
    %c0_i32_1 = arith.constant 0 : i32
    %c0_i32_2 = arith.constant 0 : i32
    return %add3A_0, %c0_i32, %arg0, %c0_i32_1 : i32, i32, i32, i32
  }
  func.func @transform_2(%arg0: i32, %arg1: i32) -> (i32, i32, i32) {
    %c0_i32 = arith.constant 0 : i32
    %c0_i32_0 = arith.constant 0 : i32
    %c0_i32_1 = arith.constant 0 : i32
    %c0_i32_2 = arith.constant 0 : i32
    return %c0_i32, %c0_i32_0, %c0_i32_1 : i32, i32, i32
  }
  func.func @transform_3(%arg0: i32, %arg1: i32) -> (i32, i32) {
    %c0_i32 = arith.constant 0 : i32
    %c0_i32_0 = arith.constant 0 : i32
    %c0_i32_1 = arith.constant 0 : i32
    return %c0_i32, %c0_i32_0 : i32, i32
  }
  func.func @transform_4(%arg0: i32, %arg1: i32) -> (i32, i32, i32, i32) {
    %c0_i32 = arith.constant 0 : i32
    %c0_i32_0 = arith.constant 0 : i32
    %c0_i32_1 = arith.constant 0 : i32
    return %arg1, %c0_i32, %arg0, %c0_i32_0 : i32, i32, i32, i32
  }
}

module attributes {stable_mosaic.version = 14 : i64} {
  func.func @_pool_body(%arg0: i32, %arg1: memref<56x55x8x64xf32, #tpu.memory_space<vmem>>, %arg2: memref<27x27x8x64xf32, #tpu.memory_space<vmem>>) attributes {dimension_semantics = [#tpu.dimension_semantics<arbitrary>], iteration_bounds = array<i64: 6>, scalar_prefetch = 0 : i64, scratch_operands = 0 : i64, tpu.core_type = #tpu.core_type<tc>, window_params = [{transform_indices = @transform_0, window_bounds = array<i64: 56, 55, 8, 64>}, {transform_indices = @transform_1, window_bounds = array<i64: 27, 27, 8, 64>}]} {
    %get3A = arith.constant 0 : index
    %get3A_0 = arith.constant 0 : index
    %get3A_1 = arith.constant 0 : index
    %get3A_2 = arith.constant 0 : index
    %get3A_3 = vector.load %arg1[%get3A, %get3A_0, %get3A_1, %get3A_2] : memref<56x55x8x64xf32, #tpu.memory_space<vmem>>, vector<56x55x8x64xf32>
    %slice3A = vector.extract_strided_slice %get3A_3 {offsets = [0, 0, 0, 0], sizes = [54, 55, 8, 64], strides = [1, 1, 1, 1]} : vector<56x55x8x64xf32> to vector<54x55x8x64xf32>
    %slice3A_4 = vector.extract_strided_slice %get3A_3 {offsets = [1, 0, 0, 0], sizes = [54, 55, 8, 64], strides = [1, 1, 1, 1]} : vector<56x55x8x64xf32> to vector<54x55x8x64xf32>
    %max3A = arith.maximumf %slice3A, %slice3A_4 : vector<54x55x8x64xf32>
    %slice3A_5 = vector.extract_strided_slice %get3A_3 {offsets = [2, 0, 0, 0], sizes = [54, 55, 8, 64], strides = [1, 1, 1, 1]} : vector<56x55x8x64xf32> to vector<54x55x8x64xf32>
    %max3A_6 = arith.maximumf %max3A, %slice3A_5 : vector<54x55x8x64xf32>
    %reshape3A = vector.shape_cast %max3A_6 : vector<54x55x8x64xf32> to vector<27x2x55x8x64xf32>
    %slice3A_7 = vector.extract_strided_slice %reshape3A {offsets = [0, 0, 0, 0, 0], sizes = [27, 1, 55, 8, 64], strides = [1, 1, 1, 1, 1]} : vector<27x2x55x8x64xf32> to vector<27x1x55x8x64xf32>
    %squeeze3A = vector.shape_cast %slice3A_7 : vector<27x1x55x8x64xf32> to vector<27x55x8x64xf32>
    %slice3A_8 = vector.extract_strided_slice %squeeze3A {offsets = [0, 0, 0, 0], sizes = [27, 53, 8, 64], strides = [1, 1, 1, 1]} : vector<27x55x8x64xf32> to vector<27x53x8x64xf32>
    %slice3A_9 = vector.extract_strided_slice %squeeze3A {offsets = [0, 1, 0, 0], sizes = [27, 53, 8, 64], strides = [1, 1, 1, 1]} : vector<27x55x8x64xf32> to vector<27x53x8x64xf32>
    %max3A_10 = arith.maximumf %slice3A_8, %slice3A_9 : vector<27x53x8x64xf32>
    %slice3A_11 = vector.extract_strided_slice %squeeze3A {offsets = [0, 2, 0, 0], sizes = [27, 53, 8, 64], strides = [1, 1, 1, 1]} : vector<27x55x8x64xf32> to vector<27x53x8x64xf32>
    %max3A_12 = arith.maximumf %max3A_10, %slice3A_11 : vector<27x53x8x64xf32>
    %slice3A_13 = vector.extract_strided_slice %max3A_12 {offsets = [0, 0, 0, 0], sizes = [27, 1, 8, 64], strides = [1, 1, 1, 1]} : vector<27x53x8x64xf32> to vector<27x1x8x64xf32>
    %concatenate3A = tpu.concatenate %max3A_12, %slice3A_13 in 1 : vector<27x53x8x64xf32>, vector<27x1x8x64xf32> -> vector<27x54x8x64xf32>
    %reshape3A_14 = vector.shape_cast %concatenate3A : vector<27x54x8x64xf32> to vector<27x27x2x8x64xf32>
    %slice3A_15 = vector.extract_strided_slice %reshape3A_14 {offsets = [0, 0, 0, 0, 0], sizes = [27, 27, 1, 8, 64], strides = [1, 1, 1, 1, 1]} : vector<27x27x2x8x64xf32> to vector<27x27x1x8x64xf32>
    %squeeze3A_16 = vector.shape_cast %slice3A_15 : vector<27x27x1x8x64xf32> to vector<27x27x8x64xf32>
    %swap3A = arith.constant 0 : index
    %swap3A_17 = arith.constant 0 : index
    %swap3A_18 = arith.constant 0 : index
    %swap3A_19 = arith.constant 0 : index
    %swap3A_20 = vector.load %arg2[%swap3A, %swap3A_17, %swap3A_18, %swap3A_19] : memref<27x27x8x64xf32, #tpu.memory_space<vmem>>, vector<27x27x8x64xf32>
    tpu.vector_store %arg2[%swap3A, %swap3A_17, %swap3A_18, %swap3A_19], %squeeze3A_16 {strides = array<i32>} : memref<27x27x8x64xf32, #tpu.memory_space<vmem>>, vector<27x27x8x64xf32>,
    return
  }
  func.func @transform_0(%arg0: i32) -> (i32, i32, i32, i32) {
    %c0_i32 = arith.constant 0 : i32
    %c0_i32_0 = arith.constant 0 : i32
    %c0_i32_1 = arith.constant 0 : i32
    %c0_i32_2 = arith.constant 0 : i32
    return %c0_i32, %c0_i32_0, %arg0, %c0_i32_1 : i32, i32, i32, i32
  }
  func.func @transform_1(%arg0: i32) -> (i32, i32, i32, i32) {
    %c0_i32 = arith.constant 0 : i32
    %c0_i32_0 = arith.constant 0 : i32
    %c0_i32_1 = arith.constant 0 : i32
    %c0_i32_2 = arith.constant 0 : i32
    return %c0_i32, %c0_i32_0, %arg0, %c0_i32_1 : i32, i32, i32, i32
  }
}

module attributes {stable_mosaic.version = 14 : i64} {
  func.func @_conv_body(%arg0: i32, %arg1: memref<31x32x8x64xf32, #tpu.memory_space<vmem>>, %arg2: memref<15x128x192xf32, #tpu.memory_space<vmem>>, %arg3: memref<1x192xf32, #tpu.memory_space<vmem>>, %arg4: memref<13x13x8x192xf32, #tpu.memory_space<vmem>>, %arg5: memref<5832x192xf32, #tpu.memory_space<vmem>>) attributes {dimension_semantics = [#tpu.dimension_semantics<arbitrary>], iteration_bounds = array<i64: 6>, scalar_prefetch = 0 : i64, scratch_operands = 1 : i64, tpu.core_type = #tpu.core_type<tc>, window_params = [{transform_indices = @transform_0, window_bounds = array<i64: 31, 32, 8, 64>}, {pipeline_mode = #tpu.pipeline_mode<synchronous>, transform_indices = @transform_1, window_bounds = array<i64: 15, 128, 192>}, {pipeline_mode = #tpu.pipeline_mode<synchronous>, transform_indices = @transform_2, window_bounds = array<i64: 1, 192>}, {transform_indices = @transform_3, window_bounds = array<i64: 13, 13, 8, 192>}]} {
    %broadcast_in_dim3A = arith.constant 0.000000e+00 : f32
    %broadcast_in_dim3A_0 = vector.broadcast %broadcast_in_dim3A : f32 to vector<5832x192xf32>
    %swap3A = arith.constant 0 : index
    %swap3A_1 = arith.constant 0 : index
    %swap3A_2 = vector.load %arg5[%swap3A, %swap3A_1] : memref<5832x192xf32, #tpu.memory_space<vmem>>, vector<5832x192xf32>
    tpu.vector_store %arg5[%swap3A, %swap3A_1], %broadcast_in_dim3A_0 {strides = array<i32>} : memref<5832x192xf32, #tpu.memory_space<vmem>>, vector<5832x192xf32>,
    %scan3A = arith.constant 0 : i32
    %scan3A_3 = arith.constant 15 : i32
    %scan3A_4 = arith.addi %scan3A, %scan3A_3 : i32
    %scan3A_5 = arith.constant 1 : i32
    scf.for %scan3A_37 = %scan3A to %scan3A_4 step %scan3A_5  : i32 {
      %jit3A = arith.constant 3 : i32
      %div3A = arith.divsi %scan3A_37, %jit3A : i32
      %sign3A = arith.constant 0 : i32
      %sign3A_38 = arith.cmpi sgt, %scan3A_37, %sign3A : i32
      %sign3A_39 = arith.extui %sign3A_38 : i1 to i32
      %sign3A_40 = arith.constant 0 : i32
      %sign3A_41 = arith.cmpi slt, %scan3A_37, %sign3A_40 : i32
      %sign3A_42 = arith.extui %sign3A_41 : i1 to i32
      %sign3A_43 = arith.subi %sign3A_39, %sign3A_42 : i32
      %sign3A_44 = arith.constant 0 : i32
      %sign3A_45 = arith.cmpi sgt, %jit3A, %sign3A_44 : i32
      %sign3A_46 = arith.extui %sign3A_45 : i1 to i32
      %sign3A_47 = arith.constant 0 : i32
      %sign3A_48 = arith.cmpi slt, %jit3A, %sign3A_47 : i32
      %sign3A_49 = arith.extui %sign3A_48 : i1 to i32
      %sign3A_50 = arith.subi %sign3A_46, %sign3A_49 : i32
      %ne3A = arith.cmpi ne, %sign3A_43, %sign3A_50 : i32
      %rem3A = arith.remsi %scan3A_37, %jit3A : i32
      %ne3A_51 = arith.constant 0 : i32
      %ne3A_52 = arith.cmpi ne, %rem3A, %ne3A_51 : i32
      %and3A = arith.andi %ne3A, %ne3A_52 : i1
      %sub3A = arith.constant 1 : i32
      %sub3A_53 = arith.subi %div3A, %sub3A : i32
      %select_n3A = arith.select %and3A, %sub3A_53, %div3A : i32
      %jit3A_54 = arith.constant 3 : i32
      %eq3A = arith.constant 0 : i32
      %eq3A_55 = arith.cmpi eq, %jit3A_54, %eq3A : i32
      %jit3A_56 = arith.constant 1 : i32
      %select_n3A_57 = arith.select %eq3A_55, %jit3A_56, %jit3A_54 : i32
      %rem3A_58 = arith.remsi %scan3A_37, %select_n3A_57 : i32
      %ne3A_59 = arith.constant 0 : i32
      %ne3A_60 = arith.cmpi ne, %rem3A_58, %ne3A_59 : i32
      %lt3A = arith.constant 0 : i32
      %lt3A_61 = arith.cmpi slt, %rem3A_58, %lt3A : i32
      %lt3A_62 = arith.constant 0 : i32
      %lt3A_63 = arith.cmpi slt, %select_n3A_57, %lt3A_62 : i32
      %ne3A_64 = arith.xori %lt3A_61, %lt3A_63 : i1
      %and3A_65 = arith.andi %ne3A_64, %ne3A_60 : i1
      %add3A_66 = arith.addi %rem3A_58, %select_n3A_57 : i32
      %select_n3A_67 = arith.select %and3A_65, %add3A_66, %rem3A_58 : i32
      %mul3A = arith.constant 2 : i32
      %mul3A_68 = arith.muli %mul3A, %select_n3A_67 : i32
      %get3A_69 = arith.index_cast %select_n3A : i32 to index
      %get3A_70 = arith.index_cast %mul3A_68 : i32 to index
      %get3A_71 = arith.constant 0 : index
      %get3A_72 = arith.constant 0 : index
      %get3A_73 = vector.load %arg1[%get3A_69, %get3A_70, %get3A_71, %get3A_72] : memref<31x32x8x64xf32, #tpu.memory_space<vmem>>, vector<27x27x8x64xf32>
      %mul3A_74 = arith.constant 2 : i32
      %mul3A_75 = arith.muli %mul3A_74, %select_n3A_67 : i32
      %add3A_76 = arith.constant 1 : i32
      %add3A_77 = arith.addi %mul3A_75, %add3A_76 : i32
      %get3A_78 = arith.index_cast %select_n3A : i32 to index
      %get3A_79 = arith.index_cast %add3A_77 : i32 to index
      %get3A_80 = arith.constant 0 : index
      %get3A_81 = arith.constant 0 : index
      %get3A_82 = vector.load %arg1[%get3A_78, %get3A_79, %get3A_80, %get3A_81] : memref<31x32x8x64xf32, #tpu.memory_space<vmem>>, vector<27x27x8x64xf32>
      %concatenate3A_83 = tpu.concatenate %get3A_73, %get3A_82 in 3 : vector<27x27x8x64xf32>, vector<27x27x8x64xf32> -> vector<27x27x8x128xf32>
      %reshape3A_84 = vector.shape_cast %concatenate3A_83 : vector<27x27x8x128xf32> to vector<5832x128xf32>
      %get3A_85 = arith.constant 0 : index
      %get3A_86 = arith.constant 0 : index
      %get3A_87 = vector.load %arg5[%get3A_85, %get3A_86] : memref<5832x192xf32, #tpu.memory_space<vmem>>, vector<5832x192xf32>
      %get3A_88 = arith.index_cast %scan3A_37 : i32 to index
      %get3A_89 = arith.constant 0 : index
      %get3A_90 = arith.constant 0 : index
      %get3A_91 = vector.load %arg2[%get3A_88, %get3A_89, %get3A_90] : memref<15x128x192xf32, #tpu.memory_space<vmem>>, vector<1x128x192xf32>
      %get3A_92 = vector.shape_cast %get3A_91 : vector<1x128x192xf32> to vector<128x192xf32>
      %convert_element_type3A = arith.truncf %reshape3A_84 : vector<5832x128xf32> to vector<5832x128xbf16>
      %convert_element_type3A_93 = arith.truncf %get3A_92 : vector<128x192xf32> to vector<128x192xbf16>
      %dot_general3A = arith.constant dense<0.000000e+00> : vector<5832x192xf32>
      %dot_general3A_94 = tpu.matmul %convert_element_type3A, %convert_element_type3A_93, %dot_general3A {dimension_numbers = #tpu.dot_dimension_numbers<[1], [0], [0], [1], [0, 0, 1, 1], [], []>, transpose_lhs_hint = false} : vector<5832x128xbf16>, vector<128x192xbf16>, vector<5832x192xf32> -> vector<5832x192xf32>
      %add3A_95 = arith.addf %get3A_87, %dot_general3A_94 : vector<5832x192xf32>
      %swap3A_96 = arith.constant 0 : index
      %swap3A_97 = arith.constant 0 : index
      %swap3A_98 = vector.load %arg5[%swap3A_96, %swap3A_97] : memref<5832x192xf32, #tpu.memory_space<vmem>>, vector<5832x192xf32>
      tpu.vector_store %arg5[%swap3A_96, %swap3A_97], %add3A_95 {strides = array<i32>} : memref<5832x192xf32, #tpu.memory_space<vmem>>, vector<5832x192xf32>,
    }
    %scan3A_6 = arith.constant 15 : i32
    %get3A = arith.constant 0 : index
    %get3A_7 = arith.constant 0 : index
    %get3A_8 = vector.load %arg5[%get3A, %get3A_7] : memref<5832x192xf32, #tpu.memory_space<vmem>>, vector<5832x192xf32>
    %get3A_9 = arith.constant 0 : index
    %get3A_10 = arith.constant 0 : index
    %get3A_11 = vector.load %arg3[%get3A_9, %get3A_10] : memref<1x192xf32, #tpu.memory_space<vmem>>, vector<1x192xf32>
    %add3A = vector.broadcast %get3A_11 : vector<1x192xf32> to vector<5832x192xf32>
    %add3A_12 = arith.addf %get3A_8, %add3A : vector<5832x192xf32>
    %max3A = arith.constant 0.000000e+00 : f32
    %max3A_13 = vector.broadcast %max3A : f32 to vector<5832x192xf32>
    %max3A_14 = arith.maximumf %add3A_12, %max3A_13 : vector<5832x192xf32>
    %reshape3A = vector.shape_cast %max3A_14 : vector<5832x192xf32> to vector<27x27x8x192xf32>
    %slice3A = vector.extract_strided_slice %reshape3A {offsets = [0, 0, 0, 0], sizes = [25, 27, 8, 192], strides = [1, 1, 1, 1]} : vector<27x27x8x192xf32> to vector<25x27x8x192xf32>
    %slice3A_15 = vector.extract_strided_slice %reshape3A {offsets = [1, 0, 0, 0], sizes = [25, 27, 8, 192], strides = [1, 1, 1, 1]} : vector<27x27x8x192xf32> to vector<25x27x8x192xf32>
    %max3A_16 = arith.maximumf %slice3A, %slice3A_15 : vector<25x27x8x192xf32>
    %slice3A_17 = vector.extract_strided_slice %reshape3A {offsets = [2, 0, 0, 0], sizes = [25, 27, 8, 192], strides = [1, 1, 1, 1]} : vector<27x27x8x192xf32> to vector<25x27x8x192xf32>
    %max3A_18 = arith.maximumf %max3A_16, %slice3A_17 : vector<25x27x8x192xf32>
    %slice3A_19 = vector.extract_strided_slice %max3A_18 {offsets = [0, 0, 0, 0], sizes = [1, 27, 8, 192], strides = [1, 1, 1, 1]} : vector<25x27x8x192xf32> to vector<1x27x8x192xf32>
    %concatenate3A = tpu.concatenate %max3A_18, %slice3A_19 in 0 : vector<25x27x8x192xf32>, vector<1x27x8x192xf32> -> vector<26x27x8x192xf32>
    %reshape3A_20 = vector.shape_cast %concatenate3A : vector<26x27x8x192xf32> to vector<13x2x27x8x192xf32>
    %slice3A_21 = vector.extract_strided_slice %reshape3A_20 {offsets = [0, 0, 0, 0, 0], sizes = [13, 1, 27, 8, 192], strides = [1, 1, 1, 1, 1]} : vector<13x2x27x8x192xf32> to vector<13x1x27x8x192xf32>
    %squeeze3A = vector.shape_cast %slice3A_21 : vector<13x1x27x8x192xf32> to vector<13x27x8x192xf32>
    %slice3A_22 = vector.extract_strided_slice %squeeze3A {offsets = [0, 0, 0, 0], sizes = [13, 25, 8, 192], strides = [1, 1, 1, 1]} : vector<13x27x8x192xf32> to vector<13x25x8x192xf32>
    %slice3A_23 = vector.extract_strided_slice %squeeze3A {offsets = [0, 1, 0, 0], sizes = [13, 25, 8, 192], strides = [1, 1, 1, 1]} : vector<13x27x8x192xf32> to vector<13x25x8x192xf32>
    %max3A_24 = arith.maximumf %slice3A_22, %slice3A_23 : vector<13x25x8x192xf32>
    %slice3A_25 = vector.extract_strided_slice %squeeze3A {offsets = [0, 2, 0, 0], sizes = [13, 25, 8, 192], strides = [1, 1, 1, 1]} : vector<13x27x8x192xf32> to vector<13x25x8x192xf32>
    %max3A_26 = arith.maximumf %max3A_24, %slice3A_25 : vector<13x25x8x192xf32>
    %slice3A_27 = vector.extract_strided_slice %max3A_26 {offsets = [0, 0, 0, 0], sizes = [13, 1, 8, 192], strides = [1, 1, 1, 1]} : vector<13x25x8x192xf32> to vector<13x1x8x192xf32>
    %concatenate3A_28 = tpu.concatenate %max3A_26, %slice3A_27 in 1 : vector<13x25x8x192xf32>, vector<13x1x8x192xf32> -> vector<13x26x8x192xf32>
    %reshape3A_29 = vector.shape_cast %concatenate3A_28 : vector<13x26x8x192xf32> to vector<13x13x2x8x192xf32>
    %slice3A_30 = vector.extract_strided_slice %reshape3A_29 {offsets = [0, 0, 0, 0, 0], sizes = [13, 13, 1, 8, 192], strides = [1, 1, 1, 1, 1]} : vector<13x13x2x8x192xf32> to vector<13x13x1x8x192xf32>
    %squeeze3A_31 = vector.shape_cast %slice3A_30 : vector<13x13x1x8x192xf32> to vector<13x13x8x192xf32>
    %swap3A_32 = arith.constant 0 : index
    %swap3A_33 = arith.constant 0 : index
    %swap3A_34 = arith.constant 0 : index
    %swap3A_35 = arith.constant 0 : index
    %swap3A_36 = vector.load %arg4[%swap3A_32, %swap3A_33, %swap3A_34, %swap3A_35] : memref<13x13x8x192xf32, #tpu.memory_space<vmem>>, vector<13x13x8x192xf32>
    tpu.vector_store %arg4[%swap3A_32, %swap3A_33, %swap3A_34, %swap3A_35], %squeeze3A_31 {strides = array<i32>} : memref<13x13x8x192xf32, #tpu.memory_space<vmem>>, vector<13x13x8x192xf32>,
    return
  }
  func.func @transform_0(%arg0: i32) -> (i32, i32, i32, i32) {
    %c0_i32 = arith.constant 0 : i32
    %c0_i32_0 = arith.constant 0 : i32
    %c0_i32_1 = arith.constant 0 : i32
    %c0_i32_2 = arith.constant 0 : i32
    return %c0_i32, %c0_i32_0, %arg0, %c0_i32_1 : i32, i32, i32, i32
  }
  func.func @transform_1(%arg0: i32) -> (i32, i32, i32) {
    %c0_i32 = arith.constant 0 : i32
    %c0_i32_0 = arith.constant 0 : i32
    %c0_i32_1 = arith.constant 0 : i32
    %c0_i32_2 = arith.constant 0 : i32
    return %c0_i32, %c0_i32_0, %c0_i32_1 : i32, i32, i32
  }
  func.func @transform_2(%arg0: i32) -> (i32, i32) {
    %c0_i32 = arith.constant 0 : i32
    %c0_i32_0 = arith.constant 0 : i32
    %c0_i32_1 = arith.constant 0 : i32
    return %c0_i32, %c0_i32_0 : i32, i32
  }
  func.func @transform_3(%arg0: i32) -> (i32, i32, i32, i32) {
    %c0_i32 = arith.constant 0 : i32
    %c0_i32_0 = arith.constant 0 : i32
    %c0_i32_1 = arith.constant 0 : i32
    %c0_i32_2 = arith.constant 0 : i32
    return %c0_i32, %c0_i32_0, %arg0, %c0_i32_1 : i32, i32, i32, i32
  }
}

module attributes {stable_mosaic.version = 14 : i64} {
  func.func @_conv_body(%arg0: i32, %arg1: memref<15x15x16x192xf32, #tpu.memory_space<vmem>>, %arg2: memref<9x192x384xf32, #tpu.memory_space<vmem>>, %arg3: memref<1x384xf32, #tpu.memory_space<vmem>>, %arg4: memref<13x13x16x384xf32, #tpu.memory_space<vmem>>, %arg5: memref<2704x384xf32, #tpu.memory_space<vmem>>) attributes {dimension_semantics = [#tpu.dimension_semantics<arbitrary>], iteration_bounds = array<i64: 3>, scalar_prefetch = 0 : i64, scratch_operands = 1 : i64, tpu.core_type = #tpu.core_type<tc>, window_params = [{transform_indices = @transform_0, window_bounds = array<i64: 15, 15, 16, 192>}, {pipeline_mode = #tpu.pipeline_mode<synchronous>, transform_indices = @transform_1, window_bounds = array<i64: 9, 192, 384>}, {pipeline_mode = #tpu.pipeline_mode<synchronous>, transform_indices = @transform_2, window_bounds = array<i64: 1, 384>}, {transform_indices = @transform_3, window_bounds = array<i64: 13, 13, 16, 384>}]} {
    %broadcast_in_dim3A = arith.constant 0.000000e+00 : f32
    %broadcast_in_dim3A_0 = vector.broadcast %broadcast_in_dim3A : f32 to vector<2704x384xf32>
    %swap3A = arith.constant 0 : index
    %swap3A_1 = arith.constant 0 : index
    %swap3A_2 = vector.load %arg5[%swap3A, %swap3A_1] : memref<2704x384xf32, #tpu.memory_space<vmem>>, vector<2704x384xf32>
    tpu.vector_store %arg5[%swap3A, %swap3A_1], %broadcast_in_dim3A_0 {strides = array<i32>} : memref<2704x384xf32, #tpu.memory_space<vmem>>, vector<2704x384xf32>,
    %scan3A = arith.constant 0 : i32
    %scan3A_3 = arith.constant 9 : i32
    %scan3A_4 = arith.addi %scan3A, %scan3A_3 : i32
    %scan3A_5 = arith.constant 1 : i32
    scf.for %scan3A_20 = %scan3A to %scan3A_4 step %scan3A_5  : i32 {
      %jit3A = arith.constant 3 : i32
      %div3A = arith.divsi %scan3A_20, %jit3A : i32
      %sign3A = arith.constant 0 : i32
      %sign3A_21 = arith.cmpi sgt, %scan3A_20, %sign3A : i32
      %sign3A_22 = arith.extui %sign3A_21 : i1 to i32
      %sign3A_23 = arith.constant 0 : i32
      %sign3A_24 = arith.cmpi slt, %scan3A_20, %sign3A_23 : i32
      %sign3A_25 = arith.extui %sign3A_24 : i1 to i32
      %sign3A_26 = arith.subi %sign3A_22, %sign3A_25 : i32
      %sign3A_27 = arith.constant 0 : i32
      %sign3A_28 = arith.cmpi sgt, %jit3A, %sign3A_27 : i32
      %sign3A_29 = arith.extui %sign3A_28 : i1 to i32
      %sign3A_30 = arith.constant 0 : i32
      %sign3A_31 = arith.cmpi slt, %jit3A, %sign3A_30 : i32
      %sign3A_32 = arith.extui %sign3A_31 : i1 to i32
      %sign3A_33 = arith.subi %sign3A_29, %sign3A_32 : i32
      %ne3A = arith.cmpi ne, %sign3A_26, %sign3A_33 : i32
      %rem3A = arith.remsi %scan3A_20, %jit3A : i32
      %ne3A_34 = arith.constant 0 : i32
      %ne3A_35 = arith.cmpi ne, %rem3A, %ne3A_34 : i32
      %and3A = arith.andi %ne3A, %ne3A_35 : i1
      %sub3A = arith.constant 1 : i32
      %sub3A_36 = arith.subi %div3A, %sub3A : i32
      %select_n3A = arith.select %and3A, %sub3A_36, %div3A : i32
      %jit3A_37 = arith.constant 3 : i32
      %eq3A = arith.constant 0 : i32
      %eq3A_38 = arith.cmpi eq, %jit3A_37, %eq3A : i32
      %jit3A_39 = arith.constant 1 : i32
      %select_n3A_40 = arith.select %eq3A_38, %jit3A_39, %jit3A_37 : i32
      %rem3A_41 = arith.remsi %scan3A_20, %select_n3A_40 : i32
      %ne3A_42 = arith.constant 0 : i32
      %ne3A_43 = arith.cmpi ne, %rem3A_41, %ne3A_42 : i32
      %lt3A = arith.constant 0 : i32
      %lt3A_44 = arith.cmpi slt, %rem3A_41, %lt3A : i32
      %lt3A_45 = arith.constant 0 : i32
      %lt3A_46 = arith.cmpi slt, %select_n3A_40, %lt3A_45 : i32
      %ne3A_47 = arith.xori %lt3A_44, %lt3A_46 : i1
      %and3A_48 = arith.andi %ne3A_47, %ne3A_43 : i1
      %add3A_49 = arith.addi %rem3A_41, %select_n3A_40 : i32
      %select_n3A_50 = arith.select %and3A_48, %add3A_49, %rem3A_41 : i32
      %get3A_51 = arith.index_cast %select_n3A : i32 to index
      %get3A_52 = arith.index_cast %select_n3A_50 : i32 to index
      %get3A_53 = arith.constant 0 : index
      %get3A_54 = arith.constant 0 : index
      %get3A_55 = vector.load %arg1[%get3A_51, %get3A_52, %get3A_53, %get3A_54] : memref<15x15x16x192xf32, #tpu.memory_space<vmem>>, vector<13x13x16x192xf32>
      %reshape3A_56 = vector.shape_cast %get3A_55 : vector<13x13x16x192xf32> to vector<2704x192xf32>
      %get3A_57 = arith.constant 0 : index
      %get3A_58 = arith.constant 0 : index
      %get3A_59 = vector.load %arg5[%get3A_57, %get3A_58] : memref<2704x384xf32, #tpu.memory_space<vmem>>, vector<2704x384xf32>
      %get3A_60 = arith.index_cast %scan3A_20 : i32 to index
      %get3A_61 = arith.constant 0 : index
      %get3A_62 = arith.constant 0 : index
      %get3A_63 = vector.load %arg2[%get3A_60, %get3A_61, %get3A_62] : memref<9x192x384xf32, #tpu.memory_space<vmem>>, vector<1x192x384xf32>
      %get3A_64 = vector.shape_cast %get3A_63 : vector<1x192x384xf32> to vector<192x384xf32>
      %convert_element_type3A = arith.truncf %reshape3A_56 : vector<2704x192xf32> to vector<2704x192xbf16>
      %convert_element_type3A_65 = arith.truncf %get3A_64 : vector<192x384xf32> to vector<192x384xbf16>
      %dot_general3A = arith.constant dense<0.000000e+00> : vector<2704x384xf32>
      %dot_general3A_66 = tpu.matmul %convert_element_type3A, %convert_element_type3A_65, %dot_general3A {dimension_numbers = #tpu.dot_dimension_numbers<[1], [0], [0], [1], [0, 0, 1, 1], [], []>, transpose_lhs_hint = false} : vector<2704x192xbf16>, vector<192x384xbf16>, vector<2704x384xf32> -> vector<2704x384xf32>
      %add3A_67 = arith.addf %get3A_59, %dot_general3A_66 : vector<2704x384xf32>
      %swap3A_68 = arith.constant 0 : index
      %swap3A_69 = arith.constant 0 : index
      %swap3A_70 = vector.load %arg5[%swap3A_68, %swap3A_69] : memref<2704x384xf32, #tpu.memory_space<vmem>>, vector<2704x384xf32>
      tpu.vector_store %arg5[%swap3A_68, %swap3A_69], %add3A_67 {strides = array<i32>} : memref<2704x384xf32, #tpu.memory_space<vmem>>, vector<2704x384xf32>,
    }
    %scan3A_6 = arith.constant 9 : i32
    %get3A = arith.constant 0 : index
    %get3A_7 = arith.constant 0 : index
    %get3A_8 = vector.load %arg5[%get3A, %get3A_7] : memref<2704x384xf32, #tpu.memory_space<vmem>>, vector<2704x384xf32>
    %get3A_9 = arith.constant 0 : index
    %get3A_10 = arith.constant 0 : index
    %get3A_11 = vector.load %arg3[%get3A_9, %get3A_10] : memref<1x384xf32, #tpu.memory_space<vmem>>, vector<1x384xf32>
    %add3A = vector.broadcast %get3A_11 : vector<1x384xf32> to vector<2704x384xf32>
    %add3A_12 = arith.addf %get3A_8, %add3A : vector<2704x384xf32>
    %max3A = arith.constant 0.000000e+00 : f32
    %max3A_13 = vector.broadcast %max3A : f32 to vector<2704x384xf32>
    %max3A_14 = arith.maximumf %add3A_12, %max3A_13 : vector<2704x384xf32>
    %reshape3A = vector.shape_cast %max3A_14 : vector<2704x384xf32> to vector<13x13x16x384xf32>
    %swap3A_15 = arith.constant 0 : index
    %swap3A_16 = arith.constant 0 : index
    %swap3A_17 = arith.constant 0 : index
    %swap3A_18 = arith.constant 0 : index
    %swap3A_19 = vector.load %arg4[%swap3A_15, %swap3A_16, %swap3A_17, %swap3A_18] : memref<13x13x16x384xf32, #tpu.memory_space<vmem>>, vector<13x13x16x384xf32>
    tpu.vector_store %arg4[%swap3A_15, %swap3A_16, %swap3A_17, %swap3A_18], %reshape3A {strides = array<i32>} : memref<13x13x16x384xf32, #tpu.memory_space<vmem>>, vector<13x13x16x384xf32>,
    return
  }
  func.func @transform_0(%arg0: i32) -> (i32, i32, i32, i32) {
    %c0_i32 = arith.constant 0 : i32
    %c0_i32_0 = arith.constant 0 : i32
    %c0_i32_1 = arith.constant 0 : i32
    %c0_i32_2 = arith.constant 0 : i32
    return %c0_i32, %c0_i32_0, %arg0, %c0_i32_1 : i32, i32, i32, i32
  }
  func.func @transform_1(%arg0: i32) -> (i32, i32, i32) {
    %c0_i32 = arith.constant 0 : i32
    %c0_i32_0 = arith.constant 0 : i32
    %c0_i32_1 = arith.constant 0 : i32
    %c0_i32_2 = arith.constant 0 : i32
    return %c0_i32, %c0_i32_0, %c0_i32_1 : i32, i32, i32
  }
  func.func @transform_2(%arg0: i32) -> (i32, i32) {
    %c0_i32 = arith.constant 0 : i32
    %c0_i32_0 = arith.constant 0 : i32
    %c0_i32_1 = arith.constant 0 : i32
    return %c0_i32, %c0_i32_0 : i32, i32
  }
  func.func @transform_3(%arg0: i32) -> (i32, i32, i32, i32) {
    %c0_i32 = arith.constant 0 : i32
    %c0_i32_0 = arith.constant 0 : i32
    %c0_i32_1 = arith.constant 0 : i32
    %c0_i32_2 = arith.constant 0 : i32
    return %c0_i32, %c0_i32_0, %arg0, %c0_i32_1 : i32, i32, i32, i32
  }
}

module attributes {stable_mosaic.version = 14 : i64} {
  func.func @_conv_body(%arg0: i32, %arg1: memref<15x15x16x384xf32, #tpu.memory_space<vmem>>, %arg2: memref<9x384x256xf32, #tpu.memory_space<vmem>>, %arg3: memref<1x256xf32, #tpu.memory_space<vmem>>, %arg4: memref<13x13x16x256xf32, #tpu.memory_space<vmem>>, %arg5: memref<2704x256xf32, #tpu.memory_space<vmem>>) attributes {dimension_semantics = [#tpu.dimension_semantics<arbitrary>], iteration_bounds = array<i64: 3>, scalar_prefetch = 0 : i64, scratch_operands = 1 : i64, tpu.core_type = #tpu.core_type<tc>, window_params = [{transform_indices = @transform_0, window_bounds = array<i64: 15, 15, 16, 384>}, {pipeline_mode = #tpu.pipeline_mode<synchronous>, transform_indices = @transform_1, window_bounds = array<i64: 9, 384, 256>}, {pipeline_mode = #tpu.pipeline_mode<synchronous>, transform_indices = @transform_2, window_bounds = array<i64: 1, 256>}, {transform_indices = @transform_3, window_bounds = array<i64: 13, 13, 16, 256>}]} {
    %broadcast_in_dim3A = arith.constant 0.000000e+00 : f32
    %broadcast_in_dim3A_0 = vector.broadcast %broadcast_in_dim3A : f32 to vector<2704x256xf32>
    %swap3A = arith.constant 0 : index
    %swap3A_1 = arith.constant 0 : index
    %swap3A_2 = vector.load %arg5[%swap3A, %swap3A_1] : memref<2704x256xf32, #tpu.memory_space<vmem>>, vector<2704x256xf32>
    tpu.vector_store %arg5[%swap3A, %swap3A_1], %broadcast_in_dim3A_0 {strides = array<i32>} : memref<2704x256xf32, #tpu.memory_space<vmem>>, vector<2704x256xf32>,
    %scan3A = arith.constant 0 : i32
    %scan3A_3 = arith.constant 9 : i32
    %scan3A_4 = arith.addi %scan3A, %scan3A_3 : i32
    %scan3A_5 = arith.constant 1 : i32
    scf.for %scan3A_20 = %scan3A to %scan3A_4 step %scan3A_5  : i32 {
      %jit3A = arith.constant 3 : i32
      %div3A = arith.divsi %scan3A_20, %jit3A : i32
      %sign3A = arith.constant 0 : i32
      %sign3A_21 = arith.cmpi sgt, %scan3A_20, %sign3A : i32
      %sign3A_22 = arith.extui %sign3A_21 : i1 to i32
      %sign3A_23 = arith.constant 0 : i32
      %sign3A_24 = arith.cmpi slt, %scan3A_20, %sign3A_23 : i32
      %sign3A_25 = arith.extui %sign3A_24 : i1 to i32
      %sign3A_26 = arith.subi %sign3A_22, %sign3A_25 : i32
      %sign3A_27 = arith.constant 0 : i32
      %sign3A_28 = arith.cmpi sgt, %jit3A, %sign3A_27 : i32
      %sign3A_29 = arith.extui %sign3A_28 : i1 to i32
      %sign3A_30 = arith.constant 0 : i32
      %sign3A_31 = arith.cmpi slt, %jit3A, %sign3A_30 : i32
      %sign3A_32 = arith.extui %sign3A_31 : i1 to i32
      %sign3A_33 = arith.subi %sign3A_29, %sign3A_32 : i32
      %ne3A = arith.cmpi ne, %sign3A_26, %sign3A_33 : i32
      %rem3A = arith.remsi %scan3A_20, %jit3A : i32
      %ne3A_34 = arith.constant 0 : i32
      %ne3A_35 = arith.cmpi ne, %rem3A, %ne3A_34 : i32
      %and3A = arith.andi %ne3A, %ne3A_35 : i1
      %sub3A = arith.constant 1 : i32
      %sub3A_36 = arith.subi %div3A, %sub3A : i32
      %select_n3A = arith.select %and3A, %sub3A_36, %div3A : i32
      %jit3A_37 = arith.constant 3 : i32
      %eq3A = arith.constant 0 : i32
      %eq3A_38 = arith.cmpi eq, %jit3A_37, %eq3A : i32
      %jit3A_39 = arith.constant 1 : i32
      %select_n3A_40 = arith.select %eq3A_38, %jit3A_39, %jit3A_37 : i32
      %rem3A_41 = arith.remsi %scan3A_20, %select_n3A_40 : i32
      %ne3A_42 = arith.constant 0 : i32
      %ne3A_43 = arith.cmpi ne, %rem3A_41, %ne3A_42 : i32
      %lt3A = arith.constant 0 : i32
      %lt3A_44 = arith.cmpi slt, %rem3A_41, %lt3A : i32
      %lt3A_45 = arith.constant 0 : i32
      %lt3A_46 = arith.cmpi slt, %select_n3A_40, %lt3A_45 : i32
      %ne3A_47 = arith.xori %lt3A_44, %lt3A_46 : i1
      %and3A_48 = arith.andi %ne3A_47, %ne3A_43 : i1
      %add3A_49 = arith.addi %rem3A_41, %select_n3A_40 : i32
      %select_n3A_50 = arith.select %and3A_48, %add3A_49, %rem3A_41 : i32
      %get3A_51 = arith.index_cast %select_n3A : i32 to index
      %get3A_52 = arith.index_cast %select_n3A_50 : i32 to index
      %get3A_53 = arith.constant 0 : index
      %get3A_54 = arith.constant 0 : index
      %get3A_55 = vector.load %arg1[%get3A_51, %get3A_52, %get3A_53, %get3A_54] : memref<15x15x16x384xf32, #tpu.memory_space<vmem>>, vector<13x13x16x384xf32>
      %reshape3A_56 = vector.shape_cast %get3A_55 : vector<13x13x16x384xf32> to vector<2704x384xf32>
      %get3A_57 = arith.constant 0 : index
      %get3A_58 = arith.constant 0 : index
      %get3A_59 = vector.load %arg5[%get3A_57, %get3A_58] : memref<2704x256xf32, #tpu.memory_space<vmem>>, vector<2704x256xf32>
      %get3A_60 = arith.index_cast %scan3A_20 : i32 to index
      %get3A_61 = arith.constant 0 : index
      %get3A_62 = arith.constant 0 : index
      %get3A_63 = vector.load %arg2[%get3A_60, %get3A_61, %get3A_62] : memref<9x384x256xf32, #tpu.memory_space<vmem>>, vector<1x384x256xf32>
      %get3A_64 = vector.shape_cast %get3A_63 : vector<1x384x256xf32> to vector<384x256xf32>
      %convert_element_type3A = arith.truncf %reshape3A_56 : vector<2704x384xf32> to vector<2704x384xbf16>
      %convert_element_type3A_65 = arith.truncf %get3A_64 : vector<384x256xf32> to vector<384x256xbf16>
      %dot_general3A = arith.constant dense<0.000000e+00> : vector<2704x256xf32>
      %dot_general3A_66 = tpu.matmul %convert_element_type3A, %convert_element_type3A_65, %dot_general3A {dimension_numbers = #tpu.dot_dimension_numbers<[1], [0], [0], [1], [0, 0, 1, 1], [], []>, transpose_lhs_hint = false} : vector<2704x384xbf16>, vector<384x256xbf16>, vector<2704x256xf32> -> vector<2704x256xf32>
      %add3A_67 = arith.addf %get3A_59, %dot_general3A_66 : vector<2704x256xf32>
      %swap3A_68 = arith.constant 0 : index
      %swap3A_69 = arith.constant 0 : index
      %swap3A_70 = vector.load %arg5[%swap3A_68, %swap3A_69] : memref<2704x256xf32, #tpu.memory_space<vmem>>, vector<2704x256xf32>
      tpu.vector_store %arg5[%swap3A_68, %swap3A_69], %add3A_67 {strides = array<i32>} : memref<2704x256xf32, #tpu.memory_space<vmem>>, vector<2704x256xf32>,
    }
    %scan3A_6 = arith.constant 9 : i32
    %get3A = arith.constant 0 : index
    %get3A_7 = arith.constant 0 : index
    %get3A_8 = vector.load %arg5[%get3A, %get3A_7] : memref<2704x256xf32, #tpu.memory_space<vmem>>, vector<2704x256xf32>
    %get3A_9 = arith.constant 0 : index
    %get3A_10 = arith.constant 0 : index
    %get3A_11 = vector.load %arg3[%get3A_9, %get3A_10] : memref<1x256xf32, #tpu.memory_space<vmem>>, vector<1x256xf32>
    %add3A = vector.broadcast %get3A_11 : vector<1x256xf32> to vector<2704x256xf32>
    %add3A_12 = arith.addf %get3A_8, %add3A : vector<2704x256xf32>
    %max3A = arith.constant 0.000000e+00 : f32
    %max3A_13 = vector.broadcast %max3A : f32 to vector<2704x256xf32>
    %max3A_14 = arith.maximumf %add3A_12, %max3A_13 : vector<2704x256xf32>
    %reshape3A = vector.shape_cast %max3A_14 : vector<2704x256xf32> to vector<13x13x16x256xf32>
    %swap3A_15 = arith.constant 0 : index
    %swap3A_16 = arith.constant 0 : index
    %swap3A_17 = arith.constant 0 : index
    %swap3A_18 = arith.constant 0 : index
    %swap3A_19 = vector.load %arg4[%swap3A_15, %swap3A_16, %swap3A_17, %swap3A_18] : memref<13x13x16x256xf32, #tpu.memory_space<vmem>>, vector<13x13x16x256xf32>
    tpu.vector_store %arg4[%swap3A_15, %swap3A_16, %swap3A_17, %swap3A_18], %reshape3A {strides = array<i32>} : memref<13x13x16x256xf32, #tpu.memory_space<vmem>>, vector<13x13x16x256xf32>,
    return
  }
  func.func @transform_0(%arg0: i32) -> (i32, i32, i32, i32) {
    %c0_i32 = arith.constant 0 : i32
    %c0_i32_0 = arith.constant 0 : i32
    %c0_i32_1 = arith.constant 0 : i32
    %c0_i32_2 = arith.constant 0 : i32
    return %c0_i32, %c0_i32_0, %arg0, %c0_i32_1 : i32, i32, i32, i32
  }
  func.func @transform_1(%arg0: i32) -> (i32, i32, i32) {
    %c0_i32 = arith.constant 0 : i32
    %c0_i32_0 = arith.constant 0 : i32
    %c0_i32_1 = arith.constant 0 : i32
    %c0_i32_2 = arith.constant 0 : i32
    return %c0_i32, %c0_i32_0, %c0_i32_1 : i32, i32, i32
  }
  func.func @transform_2(%arg0: i32) -> (i32, i32) {
    %c0_i32 = arith.constant 0 : i32
    %c0_i32_0 = arith.constant 0 : i32
    %c0_i32_1 = arith.constant 0 : i32
    return %c0_i32, %c0_i32_0 : i32, i32
  }
  func.func @transform_3(%arg0: i32) -> (i32, i32, i32, i32) {
    %c0_i32 = arith.constant 0 : i32
    %c0_i32_0 = arith.constant 0 : i32
    %c0_i32_1 = arith.constant 0 : i32
    %c0_i32_2 = arith.constant 0 : i32
    return %c0_i32, %c0_i32_0, %arg0, %c0_i32_1 : i32, i32, i32, i32
  }
}

module attributes {stable_mosaic.version = 14 : i64} {
  func.func @_conv_body(%arg0: i32, %arg1: memref<15x15x16x256xf32, #tpu.memory_space<vmem>>, %arg2: memref<9x256x256xf32, #tpu.memory_space<vmem>>, %arg3: memref<1x256xf32, #tpu.memory_space<vmem>>, %arg4: memref<6x6x16x256xf32, #tpu.memory_space<vmem>>, %arg5: memref<2704x256xf32, #tpu.memory_space<vmem>>) attributes {dimension_semantics = [#tpu.dimension_semantics<arbitrary>], iteration_bounds = array<i64: 3>, scalar_prefetch = 0 : i64, scratch_operands = 1 : i64, tpu.core_type = #tpu.core_type<tc>, window_params = [{transform_indices = @transform_0, window_bounds = array<i64: 15, 15, 16, 256>}, {pipeline_mode = #tpu.pipeline_mode<synchronous>, transform_indices = @transform_1, window_bounds = array<i64: 9, 256, 256>}, {pipeline_mode = #tpu.pipeline_mode<synchronous>, transform_indices = @transform_2, window_bounds = array<i64: 1, 256>}, {transform_indices = @transform_3, window_bounds = array<i64: 6, 6, 16, 256>}]} {
    %broadcast_in_dim3A = arith.constant 0.000000e+00 : f32
    %broadcast_in_dim3A_0 = vector.broadcast %broadcast_in_dim3A : f32 to vector<2704x256xf32>
    %swap3A = arith.constant 0 : index
    %swap3A_1 = arith.constant 0 : index
    %swap3A_2 = vector.load %arg5[%swap3A, %swap3A_1] : memref<2704x256xf32, #tpu.memory_space<vmem>>, vector<2704x256xf32>
    tpu.vector_store %arg5[%swap3A, %swap3A_1], %broadcast_in_dim3A_0 {strides = array<i32>} : memref<2704x256xf32, #tpu.memory_space<vmem>>, vector<2704x256xf32>,
    %scan3A = arith.constant 0 : i32
    %scan3A_3 = arith.constant 9 : i32
    %scan3A_4 = arith.addi %scan3A, %scan3A_3 : i32
    %scan3A_5 = arith.constant 1 : i32
    scf.for %scan3A_37 = %scan3A to %scan3A_4 step %scan3A_5  : i32 {
      %jit3A = arith.constant 3 : i32
      %div3A = arith.divsi %scan3A_37, %jit3A : i32
      %sign3A = arith.constant 0 : i32
      %sign3A_38 = arith.cmpi sgt, %scan3A_37, %sign3A : i32
      %sign3A_39 = arith.extui %sign3A_38 : i1 to i32
      %sign3A_40 = arith.constant 0 : i32
      %sign3A_41 = arith.cmpi slt, %scan3A_37, %sign3A_40 : i32
      %sign3A_42 = arith.extui %sign3A_41 : i1 to i32
      %sign3A_43 = arith.subi %sign3A_39, %sign3A_42 : i32
      %sign3A_44 = arith.constant 0 : i32
      %sign3A_45 = arith.cmpi sgt, %jit3A, %sign3A_44 : i32
      %sign3A_46 = arith.extui %sign3A_45 : i1 to i32
      %sign3A_47 = arith.constant 0 : i32
      %sign3A_48 = arith.cmpi slt, %jit3A, %sign3A_47 : i32
      %sign3A_49 = arith.extui %sign3A_48 : i1 to i32
      %sign3A_50 = arith.subi %sign3A_46, %sign3A_49 : i32
      %ne3A = arith.cmpi ne, %sign3A_43, %sign3A_50 : i32
      %rem3A = arith.remsi %scan3A_37, %jit3A : i32
      %ne3A_51 = arith.constant 0 : i32
      %ne3A_52 = arith.cmpi ne, %rem3A, %ne3A_51 : i32
      %and3A = arith.andi %ne3A, %ne3A_52 : i1
      %sub3A = arith.constant 1 : i32
      %sub3A_53 = arith.subi %div3A, %sub3A : i32
      %select_n3A = arith.select %and3A, %sub3A_53, %div3A : i32
      %jit3A_54 = arith.constant 3 : i32
      %eq3A = arith.constant 0 : i32
      %eq3A_55 = arith.cmpi eq, %jit3A_54, %eq3A : i32
      %jit3A_56 = arith.constant 1 : i32
      %select_n3A_57 = arith.select %eq3A_55, %jit3A_56, %jit3A_54 : i32
      %rem3A_58 = arith.remsi %scan3A_37, %select_n3A_57 : i32
      %ne3A_59 = arith.constant 0 : i32
      %ne3A_60 = arith.cmpi ne, %rem3A_58, %ne3A_59 : i32
      %lt3A = arith.constant 0 : i32
      %lt3A_61 = arith.cmpi slt, %rem3A_58, %lt3A : i32
      %lt3A_62 = arith.constant 0 : i32
      %lt3A_63 = arith.cmpi slt, %select_n3A_57, %lt3A_62 : i32
      %ne3A_64 = arith.xori %lt3A_61, %lt3A_63 : i1
      %and3A_65 = arith.andi %ne3A_64, %ne3A_60 : i1
      %add3A_66 = arith.addi %rem3A_58, %select_n3A_57 : i32
      %select_n3A_67 = arith.select %and3A_65, %add3A_66, %rem3A_58 : i32
      %get3A_68 = arith.index_cast %select_n3A : i32 to index
      %get3A_69 = arith.index_cast %select_n3A_67 : i32 to index
      %get3A_70 = arith.constant 0 : index
      %get3A_71 = arith.constant 0 : index
      %get3A_72 = vector.load %arg1[%get3A_68, %get3A_69, %get3A_70, %get3A_71] : memref<15x15x16x256xf32, #tpu.memory_space<vmem>>, vector<13x13x16x256xf32>
      %reshape3A_73 = vector.shape_cast %get3A_72 : vector<13x13x16x256xf32> to vector<2704x256xf32>
      %get3A_74 = arith.constant 0 : index
      %get3A_75 = arith.constant 0 : index
      %get3A_76 = vector.load %arg5[%get3A_74, %get3A_75] : memref<2704x256xf32, #tpu.memory_space<vmem>>, vector<2704x256xf32>
      %get3A_77 = arith.index_cast %scan3A_37 : i32 to index
      %get3A_78 = arith.constant 0 : index
      %get3A_79 = arith.constant 0 : index
      %get3A_80 = vector.load %arg2[%get3A_77, %get3A_78, %get3A_79] : memref<9x256x256xf32, #tpu.memory_space<vmem>>, vector<1x256x256xf32>
      %get3A_81 = vector.shape_cast %get3A_80 : vector<1x256x256xf32> to vector<256x256xf32>
      %convert_element_type3A = arith.truncf %reshape3A_73 : vector<2704x256xf32> to vector<2704x256xbf16>
      %convert_element_type3A_82 = arith.truncf %get3A_81 : vector<256x256xf32> to vector<256x256xbf16>
      %dot_general3A = arith.constant dense<0.000000e+00> : vector<2704x256xf32>
      %dot_general3A_83 = tpu.matmul %convert_element_type3A, %convert_element_type3A_82, %dot_general3A {dimension_numbers = #tpu.dot_dimension_numbers<[1], [0], [0], [1], [0, 0, 1, 1], [], []>, transpose_lhs_hint = false} : vector<2704x256xbf16>, vector<256x256xbf16>, vector<2704x256xf32> -> vector<2704x256xf32>
      %add3A_84 = arith.addf %get3A_76, %dot_general3A_83 : vector<2704x256xf32>
      %swap3A_85 = arith.constant 0 : index
      %swap3A_86 = arith.constant 0 : index
      %swap3A_87 = vector.load %arg5[%swap3A_85, %swap3A_86] : memref<2704x256xf32, #tpu.memory_space<vmem>>, vector<2704x256xf32>
      tpu.vector_store %arg5[%swap3A_85, %swap3A_86], %add3A_84 {strides = array<i32>} : memref<2704x256xf32, #tpu.memory_space<vmem>>, vector<2704x256xf32>,
    }
    %scan3A_6 = arith.constant 9 : i32
    %get3A = arith.constant 0 : index
    %get3A_7 = arith.constant 0 : index
    %get3A_8 = vector.load %arg5[%get3A, %get3A_7] : memref<2704x256xf32, #tpu.memory_space<vmem>>, vector<2704x256xf32>
    %get3A_9 = arith.constant 0 : index
    %get3A_10 = arith.constant 0 : index
    %get3A_11 = vector.load %arg3[%get3A_9, %get3A_10] : memref<1x256xf32, #tpu.memory_space<vmem>>, vector<1x256xf32>
    %add3A = vector.broadcast %get3A_11 : vector<1x256xf32> to vector<2704x256xf32>
    %add3A_12 = arith.addf %get3A_8, %add3A : vector<2704x256xf32>
    %max3A = arith.constant 0.000000e+00 : f32
    %max3A_13 = vector.broadcast %max3A : f32 to vector<2704x256xf32>
    %max3A_14 = arith.maximumf %add3A_12, %max3A_13 : vector<2704x256xf32>
    %reshape3A = vector.shape_cast %max3A_14 : vector<2704x256xf32> to vector<13x13x16x256xf32>
    %slice3A = vector.extract_strided_slice %reshape3A {offsets = [0, 0, 0, 0], sizes = [11, 13, 16, 256], strides = [1, 1, 1, 1]} : vector<13x13x16x256xf32> to vector<11x13x16x256xf32>
    %slice3A_15 = vector.extract_strided_slice %reshape3A {offsets = [1, 0, 0, 0], sizes = [11, 13, 16, 256], strides = [1, 1, 1, 1]} : vector<13x13x16x256xf32> to vector<11x13x16x256xf32>
    %max3A_16 = arith.maximumf %slice3A, %slice3A_15 : vector<11x13x16x256xf32>
    %slice3A_17 = vector.extract_strided_slice %reshape3A {offsets = [2, 0, 0, 0], sizes = [11, 13, 16, 256], strides = [1, 1, 1, 1]} : vector<13x13x16x256xf32> to vector<11x13x16x256xf32>
    %max3A_18 = arith.maximumf %max3A_16, %slice3A_17 : vector<11x13x16x256xf32>
    %slice3A_19 = vector.extract_strided_slice %max3A_18 {offsets = [0, 0, 0, 0], sizes = [1, 13, 16, 256], strides = [1, 1, 1, 1]} : vector<11x13x16x256xf32> to vector<1x13x16x256xf32>
    %concatenate3A = tpu.concatenate %max3A_18, %slice3A_19 in 0 : vector<11x13x16x256xf32>, vector<1x13x16x256xf32> -> vector<12x13x16x256xf32>
    %reshape3A_20 = vector.shape_cast %concatenate3A : vector<12x13x16x256xf32> to vector<6x2x13x16x256xf32>
    %slice3A_21 = vector.extract_strided_slice %reshape3A_20 {offsets = [0, 0, 0, 0, 0], sizes = [6, 1, 13, 16, 256], strides = [1, 1, 1, 1, 1]} : vector<6x2x13x16x256xf32> to vector<6x1x13x16x256xf32>
    %squeeze3A = vector.shape_cast %slice3A_21 : vector<6x1x13x16x256xf32> to vector<6x13x16x256xf32>
    %slice3A_22 = vector.extract_strided_slice %squeeze3A {offsets = [0, 0, 0, 0], sizes = [6, 11, 16, 256], strides = [1, 1, 1, 1]} : vector<6x13x16x256xf32> to vector<6x11x16x256xf32>
    %slice3A_23 = vector.extract_strided_slice %squeeze3A {offsets = [0, 1, 0, 0], sizes = [6, 11, 16, 256], strides = [1, 1, 1, 1]} : vector<6x13x16x256xf32> to vector<6x11x16x256xf32>
    %max3A_24 = arith.maximumf %slice3A_22, %slice3A_23 : vector<6x11x16x256xf32>
    %slice3A_25 = vector.extract_strided_slice %squeeze3A {offsets = [0, 2, 0, 0], sizes = [6, 11, 16, 256], strides = [1, 1, 1, 1]} : vector<6x13x16x256xf32> to vector<6x11x16x256xf32>
    %max3A_26 = arith.maximumf %max3A_24, %slice3A_25 : vector<6x11x16x256xf32>
    %slice3A_27 = vector.extract_strided_slice %max3A_26 {offsets = [0, 0, 0, 0], sizes = [6, 1, 16, 256], strides = [1, 1, 1, 1]} : vector<6x11x16x256xf32> to vector<6x1x16x256xf32>
    %concatenate3A_28 = tpu.concatenate %max3A_26, %slice3A_27 in 1 : vector<6x11x16x256xf32>, vector<6x1x16x256xf32> -> vector<6x12x16x256xf32>
    %reshape3A_29 = vector.shape_cast %concatenate3A_28 : vector<6x12x16x256xf32> to vector<6x6x2x16x256xf32>
    %slice3A_30 = vector.extract_strided_slice %reshape3A_29 {offsets = [0, 0, 0, 0, 0], sizes = [6, 6, 1, 16, 256], strides = [1, 1, 1, 1, 1]} : vector<6x6x2x16x256xf32> to vector<6x6x1x16x256xf32>
    %squeeze3A_31 = vector.shape_cast %slice3A_30 : vector<6x6x1x16x256xf32> to vector<6x6x16x256xf32>
    %swap3A_32 = arith.constant 0 : index
    %swap3A_33 = arith.constant 0 : index
    %swap3A_34 = arith.constant 0 : index
    %swap3A_35 = arith.constant 0 : index
    %swap3A_36 = vector.load %arg4[%swap3A_32, %swap3A_33, %swap3A_34, %swap3A_35] : memref<6x6x16x256xf32, #tpu.memory_space<vmem>>, vector<6x6x16x256xf32>
    tpu.vector_store %arg4[%swap3A_32, %swap3A_33, %swap3A_34, %swap3A_35], %squeeze3A_31 {strides = array<i32>} : memref<6x6x16x256xf32, #tpu.memory_space<vmem>>, vector<6x6x16x256xf32>,
    return
  }
  func.func @transform_0(%arg0: i32) -> (i32, i32, i32, i32) {
    %c0_i32 = arith.constant 0 : i32
    %c0_i32_0 = arith.constant 0 : i32
    %c0_i32_1 = arith.constant 0 : i32
    %c0_i32_2 = arith.constant 0 : i32
    return %c0_i32, %c0_i32_0, %arg0, %c0_i32_1 : i32, i32, i32, i32
  }
  func.func @transform_1(%arg0: i32) -> (i32, i32, i32) {
    %c0_i32 = arith.constant 0 : i32
    %c0_i32_0 = arith.constant 0 : i32
    %c0_i32_1 = arith.constant 0 : i32
    %c0_i32_2 = arith.constant 0 : i32
    return %c0_i32, %c0_i32_0, %c0_i32_1 : i32, i32, i32
  }
  func.func @transform_2(%arg0: i32) -> (i32, i32) {
    %c0_i32 = arith.constant 0 : i32
    %c0_i32_0 = arith.constant 0 : i32
    %c0_i32_1 = arith.constant 0 : i32
    return %c0_i32, %c0_i32_0 : i32, i32
  }
  func.func @transform_3(%arg0: i32) -> (i32, i32, i32, i32) {
    %c0_i32 = arith.constant 0 : i32
    %c0_i32_0 = arith.constant 0 : i32
    %c0_i32_1 = arith.constant 0 : i32
    %c0_i32_2 = arith.constant 0 : i32
    return %c0_i32, %c0_i32_0, %arg0, %c0_i32_1 : i32, i32, i32, i32
  }
}

module attributes {stable_mosaic.version = 14 : i64} {
  func.func @body(%arg0: i32, %arg1: i32, %arg2: memref<48x2304xf32, #tpu.memory_space<vmem>>, %arg3: memref<512x2304xf32, #tpu.memory_space<vmem>>, %arg4: memref<1x512xf32, #tpu.memory_space<vmem>>, %arg5: memref<48x512xf32, #tpu.memory_space<vmem>>, %arg6: memref<48x512xf32, #tpu.memory_space<vmem>>) attributes {dimension_semantics = [#tpu.dimension_semantics<arbitrary>, #tpu.dimension_semantics<arbitrary>], iteration_bounds = array<i64: 8, 4>, scalar_prefetch = 0 : i64, scratch_operands = 1 : i64, tpu.core_type = #tpu.core_type<tc>, window_params = [{transform_indices = @transform_0, window_bounds = array<i64: 48, 2304>}, {transform_indices = @transform_1, window_bounds = array<i64: 512, 2304>}, {transform_indices = @transform_2, window_bounds = array<i64: 1, 512>}, {transform_indices = @transform_3, window_bounds = array<i64: 48, 512>}]} {
    %get3A = arith.constant 0 : index
    %get3A_0 = arith.constant 0 : index
    %get3A_1 = vector.load %arg2[%get3A, %get3A_0] : memref<48x2304xf32, #tpu.memory_space<vmem>>, vector<48x2304xf32>
    %get3A_2 = arith.constant 0 : index
    %get3A_3 = arith.constant 0 : index
    %get3A_4 = vector.load %arg3[%get3A_2, %get3A_3] : memref<512x2304xf32, #tpu.memory_space<vmem>>, vector<512x2304xf32>
    %convert_element_type3A = arith.truncf %get3A_1 : vector<48x2304xf32> to vector<48x2304xbf16>
    %convert_element_type3A_5 = arith.truncf %get3A_4 : vector<512x2304xf32> to vector<512x2304xbf16>
    %dot_general3A = arith.constant dense<0.000000e+00> : vector<48x512xf32>
    %dot_general3A_6 = tpu.matmul %convert_element_type3A, %convert_element_type3A_5, %dot_general3A {dimension_numbers = #tpu.dot_dimension_numbers<[1], [1], [0], [0], [0, 0, 1, 0], [], []>, transpose_lhs_hint = false} : vector<48x2304xbf16>, vector<512x2304xbf16>, vector<48x512xf32> -> vector<48x512xf32>
    %eq3A = arith.constant 0 : i32
    %eq3A_7 = arith.cmpi eq, %arg1, %eq3A : i32
    %convert_element_type3A_8 = arith.extui %eq3A_7 : i1 to i32
    %cond3A = arith.constant 0 : i32
    %cond3A_9 = arith.cmpi ne, %convert_element_type3A_8, %cond3A : i32
    scf.if %cond3A_9 {
      %swap3A = arith.constant 0 : index
      %swap3A_19 = arith.constant 0 : index
      %swap3A_20 = vector.load %arg6[%swap3A, %swap3A_19] : memref<48x512xf32, #tpu.memory_space<vmem>>, vector<48x512xf32>
      tpu.vector_store %arg6[%swap3A, %swap3A_19], %dot_general3A_6 {strides = array<i32>} : memref<48x512xf32, #tpu.memory_space<vmem>>, vector<48x512xf32>,
    } else {
    }
    %gt3A = arith.constant 0 : i32
    %gt3A_10 = arith.cmpi sgt, %arg1, %gt3A : i32
    %convert_element_type3A_11 = arith.extui %gt3A_10 : i1 to i32
    %cond3A_12 = arith.constant 0 : i32
    %cond3A_13 = arith.cmpi ne, %convert_element_type3A_11, %cond3A_12 : i32
    scf.if %cond3A_13 {
      %get3A_19 = arith.constant 0 : index
      %get3A_20 = arith.constant 0 : index
      %get3A_21 = vector.load %arg6[%get3A_19, %get3A_20] : memref<48x512xf32, #tpu.memory_space<vmem>>, vector<48x512xf32>
      %add3A = arith.addf %get3A_21, %dot_general3A_6 : vector<48x512xf32>
      %swap3A = arith.constant 0 : index
      %swap3A_22 = arith.constant 0 : index
      %swap3A_23 = vector.load %arg6[%swap3A, %swap3A_22] : memref<48x512xf32, #tpu.memory_space<vmem>>, vector<48x512xf32>
      tpu.vector_store %arg6[%swap3A, %swap3A_22], %add3A {strides = array<i32>} : memref<48x512xf32, #tpu.memory_space<vmem>>, vector<48x512xf32>,
    } else {
    }
    %eq3A_14 = arith.constant 3 : i32
    %eq3A_15 = arith.cmpi eq, %arg1, %eq3A_14 : i32
    %convert_element_type3A_16 = arith.extui %eq3A_15 : i1 to i32
    %cond3A_17 = arith.constant 0 : i32
    %cond3A_18 = arith.cmpi ne, %convert_element_type3A_16, %cond3A_17 : i32
    scf.if %cond3A_18 {
      %get3A_19 = arith.constant 0 : index
      %get3A_20 = arith.constant 0 : index
      %get3A_21 = vector.load %arg6[%get3A_19, %get3A_20] : memref<48x512xf32, #tpu.memory_space<vmem>>, vector<48x512xf32>
      %get3A_22 = arith.constant 0 : index
      %get3A_23 = arith.constant 0 : index
      %get3A_24 = vector.load %arg4[%get3A_22, %get3A_23] : memref<1x512xf32, #tpu.memory_space<vmem>>, vector<1x512xf32>
      %add3A = vector.broadcast %get3A_24 : vector<1x512xf32> to vector<48x512xf32>
      %add3A_25 = arith.addf %get3A_21, %add3A : vector<48x512xf32>
      %max3A = arith.constant 0.000000e+00 : f32
      %max3A_26 = vector.broadcast %max3A : f32 to vector<48x512xf32>
      %max3A_27 = arith.maximumf %add3A_25, %max3A_26 : vector<48x512xf32>
      %swap3A = arith.constant 0 : index
      %swap3A_28 = arith.constant 0 : index
      %swap3A_29 = vector.load %arg5[%swap3A, %swap3A_28] : memref<48x512xf32, #tpu.memory_space<vmem>>, vector<48x512xf32>
      tpu.vector_store %arg5[%swap3A, %swap3A_28], %max3A_27 {strides = array<i32>} : memref<48x512xf32, #tpu.memory_space<vmem>>, vector<48x512xf32>,
    } else {
    }
    return
  }
  func.func @transform_0(%arg0: i32, %arg1: i32) -> (i32, i32) {
    %c0_i32 = arith.constant 0 : i32
    %c0_i32_0 = arith.constant 0 : i32
    return %c0_i32, %arg1 : i32, i32
  }
  func.func @transform_1(%arg0: i32, %arg1: i32) -> (i32, i32) {
    %c0_i32 = arith.constant 0 : i32
    return %arg0, %arg1 : i32, i32
  }
  func.func @transform_2(%arg0: i32, %arg1: i32) -> (i32, i32) {
    %c0_i32 = arith.constant 0 : i32
    %c0_i32_0 = arith.constant 0 : i32
    return %c0_i32, %arg0 : i32, i32
  }
  func.func @transform_3(%arg0: i32, %arg1: i32) -> (i32, i32) {
    %c0_i32 = arith.constant 0 : i32
    %c0_i32_0 = arith.constant 0 : i32
    return %c0_i32, %arg0 : i32, i32
  }
}

module attributes {stable_mosaic.version = 14 : i64} {
  func.func @body(%arg0: i32, %arg1: i32, %arg2: memref<48x2048xf32, #tpu.memory_space<vmem>>, %arg3: memref<512x2048xf32, #tpu.memory_space<vmem>>, %arg4: memref<1x512xf32, #tpu.memory_space<vmem>>, %arg5: memref<48x512xf32, #tpu.memory_space<vmem>>, %arg6: memref<48x512xf32, #tpu.memory_space<vmem>>) attributes {dimension_semantics = [#tpu.dimension_semantics<arbitrary>, #tpu.dimension_semantics<arbitrary>], iteration_bounds = array<i64: 8, 2>, scalar_prefetch = 0 : i64, scratch_operands = 1 : i64, tpu.core_type = #tpu.core_type<tc>, window_params = [{transform_indices = @transform_0, window_bounds = array<i64: 48, 2048>}, {transform_indices = @transform_1, window_bounds = array<i64: 512, 2048>}, {transform_indices = @transform_2, window_bounds = array<i64: 1, 512>}, {transform_indices = @transform_3, window_bounds = array<i64: 48, 512>}]} {
    %get3A = arith.constant 0 : index
    %get3A_0 = arith.constant 0 : index
    %get3A_1 = vector.load %arg2[%get3A, %get3A_0] : memref<48x2048xf32, #tpu.memory_space<vmem>>, vector<48x2048xf32>
    %get3A_2 = arith.constant 0 : index
    %get3A_3 = arith.constant 0 : index
    %get3A_4 = vector.load %arg3[%get3A_2, %get3A_3] : memref<512x2048xf32, #tpu.memory_space<vmem>>, vector<512x2048xf32>
    %convert_element_type3A = arith.truncf %get3A_1 : vector<48x2048xf32> to vector<48x2048xbf16>
    %convert_element_type3A_5 = arith.truncf %get3A_4 : vector<512x2048xf32> to vector<512x2048xbf16>
    %dot_general3A = arith.constant dense<0.000000e+00> : vector<48x512xf32>
    %dot_general3A_6 = tpu.matmul %convert_element_type3A, %convert_element_type3A_5, %dot_general3A {dimension_numbers = #tpu.dot_dimension_numbers<[1], [1], [0], [0], [0, 0, 1, 0], [], []>, transpose_lhs_hint = false} : vector<48x2048xbf16>, vector<512x2048xbf16>, vector<48x512xf32> -> vector<48x512xf32>
    %eq3A = arith.constant 0 : i32
    %eq3A_7 = arith.cmpi eq, %arg1, %eq3A : i32
    %convert_element_type3A_8 = arith.extui %eq3A_7 : i1 to i32
    %cond3A = arith.constant 0 : i32
    %cond3A_9 = arith.cmpi ne, %convert_element_type3A_8, %cond3A : i32
    scf.if %cond3A_9 {
      %swap3A = arith.constant 0 : index
      %swap3A_19 = arith.constant 0 : index
      %swap3A_20 = vector.load %arg6[%swap3A, %swap3A_19] : memref<48x512xf32, #tpu.memory_space<vmem>>, vector<48x512xf32>
      tpu.vector_store %arg6[%swap3A, %swap3A_19], %dot_general3A_6 {strides = array<i32>} : memref<48x512xf32, #tpu.memory_space<vmem>>, vector<48x512xf32>,
    } else {
    }
    %gt3A = arith.constant 0 : i32
    %gt3A_10 = arith.cmpi sgt, %arg1, %gt3A : i32
    %convert_element_type3A_11 = arith.extui %gt3A_10 : i1 to i32
    %cond3A_12 = arith.constant 0 : i32
    %cond3A_13 = arith.cmpi ne, %convert_element_type3A_11, %cond3A_12 : i32
    scf.if %cond3A_13 {
      %get3A_19 = arith.constant 0 : index
      %get3A_20 = arith.constant 0 : index
      %get3A_21 = vector.load %arg6[%get3A_19, %get3A_20] : memref<48x512xf32, #tpu.memory_space<vmem>>, vector<48x512xf32>
      %add3A = arith.addf %get3A_21, %dot_general3A_6 : vector<48x512xf32>
      %swap3A = arith.constant 0 : index
      %swap3A_22 = arith.constant 0 : index
      %swap3A_23 = vector.load %arg6[%swap3A, %swap3A_22] : memref<48x512xf32, #tpu.memory_space<vmem>>, vector<48x512xf32>
      tpu.vector_store %arg6[%swap3A, %swap3A_22], %add3A {strides = array<i32>} : memref<48x512xf32, #tpu.memory_space<vmem>>, vector<48x512xf32>,
    } else {
    }
    %eq3A_14 = arith.constant 1 : i32
    %eq3A_15 = arith.cmpi eq, %arg1, %eq3A_14 : i32
    %convert_element_type3A_16 = arith.extui %eq3A_15 : i1 to i32
    %cond3A_17 = arith.constant 0 : i32
    %cond3A_18 = arith.cmpi ne, %convert_element_type3A_16, %cond3A_17 : i32
    scf.if %cond3A_18 {
      %get3A_19 = arith.constant 0 : index
      %get3A_20 = arith.constant 0 : index
      %get3A_21 = vector.load %arg6[%get3A_19, %get3A_20] : memref<48x512xf32, #tpu.memory_space<vmem>>, vector<48x512xf32>
      %get3A_22 = arith.constant 0 : index
      %get3A_23 = arith.constant 0 : index
      %get3A_24 = vector.load %arg4[%get3A_22, %get3A_23] : memref<1x512xf32, #tpu.memory_space<vmem>>, vector<1x512xf32>
      %add3A = vector.broadcast %get3A_24 : vector<1x512xf32> to vector<48x512xf32>
      %add3A_25 = arith.addf %get3A_21, %add3A : vector<48x512xf32>
      %max3A = arith.constant 0.000000e+00 : f32
      %max3A_26 = vector.broadcast %max3A : f32 to vector<48x512xf32>
      %max3A_27 = arith.maximumf %add3A_25, %max3A_26 : vector<48x512xf32>
      %swap3A = arith.constant 0 : index
      %swap3A_28 = arith.constant 0 : index
      %swap3A_29 = vector.load %arg5[%swap3A, %swap3A_28] : memref<48x512xf32, #tpu.memory_space<vmem>>, vector<48x512xf32>
      tpu.vector_store %arg5[%swap3A, %swap3A_28], %max3A_27 {strides = array<i32>} : memref<48x512xf32, #tpu.memory_space<vmem>>, vector<48x512xf32>,
    } else {
    }
    return
  }
  func.func @transform_0(%arg0: i32, %arg1: i32) -> (i32, i32) {
    %c0_i32 = arith.constant 0 : i32
    %c0_i32_0 = arith.constant 0 : i32
    return %c0_i32, %arg1 : i32, i32
  }
  func.func @transform_1(%arg0: i32, %arg1: i32) -> (i32, i32) {
    %c0_i32 = arith.constant 0 : i32
    return %arg0, %arg1 : i32, i32
  }
  func.func @transform_2(%arg0: i32, %arg1: i32) -> (i32, i32) {
    %c0_i32 = arith.constant 0 : i32
    %c0_i32_0 = arith.constant 0 : i32
    return %c0_i32, %arg0 : i32, i32
  }
  func.func @transform_3(%arg0: i32, %arg1: i32) -> (i32, i32) {
    %c0_i32 = arith.constant 0 : i32
    %c0_i32_0 = arith.constant 0 : i32
    return %c0_i32, %arg0 : i32, i32
  }
}

module attributes {stable_mosaic.version = 14 : i64} {
  func.func @body(%arg0: i32, %arg1: i32, %arg2: memref<16x3328xf32, #tpu.memory_space<vmem>>, %arg3: memref<512x3328xf32, #tpu.memory_space<vmem>>, %arg4: memref<1x512xf32, #tpu.memory_space<vmem>>, %arg5: memref<16x512xf32, #tpu.memory_space<vmem>>, %arg6: memref<16x512xf32, #tpu.memory_space<vmem>>) attributes {dimension_semantics = [#tpu.dimension_semantics<arbitrary>, #tpu.dimension_semantics<arbitrary>], iteration_bounds = array<i64: 2, 4>, scalar_prefetch = 0 : i64, scratch_operands = 1 : i64, tpu.core_type = #tpu.core_type<tc>, window_params = [{transform_indices = @transform_0, window_bounds = array<i64: 16, 3328>}, {transform_indices = @transform_1, window_bounds = array<i64: 512, 3328>}, {transform_indices = @transform_2, window_bounds = array<i64: 1, 512>}, {transform_indices = @transform_3, window_bounds = array<i64: 16, 512>}]} {
    %get3A = arith.constant 0 : index
    %get3A_0 = arith.constant 0 : index
    %get3A_1 = vector.load %arg2[%get3A, %get3A_0] : memref<16x3328xf32, #tpu.memory_space<vmem>>, vector<16x3328xf32>
    %get3A_2 = arith.constant 0 : index
    %get3A_3 = arith.constant 0 : index
    %get3A_4 = vector.load %arg3[%get3A_2, %get3A_3] : memref<512x3328xf32, #tpu.memory_space<vmem>>, vector<512x3328xf32>
    %convert_element_type3A = arith.truncf %get3A_1 : vector<16x3328xf32> to vector<16x3328xbf16>
    %convert_element_type3A_5 = arith.truncf %get3A_4 : vector<512x3328xf32> to vector<512x3328xbf16>
    %dot_general3A = arith.constant dense<0.000000e+00> : vector<16x512xf32>
    %dot_general3A_6 = tpu.matmul %convert_element_type3A, %convert_element_type3A_5, %dot_general3A {dimension_numbers = #tpu.dot_dimension_numbers<[1], [1], [0], [0], [0, 0, 1, 0], [], []>, transpose_lhs_hint = false} : vector<16x3328xbf16>, vector<512x3328xbf16>, vector<16x512xf32> -> vector<16x512xf32>
    %eq3A = arith.constant 0 : i32
    %eq3A_7 = arith.cmpi eq, %arg1, %eq3A : i32
    %convert_element_type3A_8 = arith.extui %eq3A_7 : i1 to i32
    %cond3A = arith.constant 0 : i32
    %cond3A_9 = arith.cmpi ne, %convert_element_type3A_8, %cond3A : i32
    scf.if %cond3A_9 {
      %swap3A = arith.constant 0 : index
      %swap3A_19 = arith.constant 0 : index
      %swap3A_20 = vector.load %arg6[%swap3A, %swap3A_19] : memref<16x512xf32, #tpu.memory_space<vmem>>, vector<16x512xf32>
      tpu.vector_store %arg6[%swap3A, %swap3A_19], %dot_general3A_6 {strides = array<i32>} : memref<16x512xf32, #tpu.memory_space<vmem>>, vector<16x512xf32>,
    } else {
    }
    %gt3A = arith.constant 0 : i32
    %gt3A_10 = arith.cmpi sgt, %arg1, %gt3A : i32
    %convert_element_type3A_11 = arith.extui %gt3A_10 : i1 to i32
    %cond3A_12 = arith.constant 0 : i32
    %cond3A_13 = arith.cmpi ne, %convert_element_type3A_11, %cond3A_12 : i32
    scf.if %cond3A_13 {
      %get3A_19 = arith.constant 0 : index
      %get3A_20 = arith.constant 0 : index
      %get3A_21 = vector.load %arg6[%get3A_19, %get3A_20] : memref<16x512xf32, #tpu.memory_space<vmem>>, vector<16x512xf32>
      %add3A = arith.addf %get3A_21, %dot_general3A_6 : vector<16x512xf32>
      %swap3A = arith.constant 0 : index
      %swap3A_22 = arith.constant 0 : index
      %swap3A_23 = vector.load %arg6[%swap3A, %swap3A_22] : memref<16x512xf32, #tpu.memory_space<vmem>>, vector<16x512xf32>
      tpu.vector_store %arg6[%swap3A, %swap3A_22], %add3A {strides = array<i32>} : memref<16x512xf32, #tpu.memory_space<vmem>>, vector<16x512xf32>,
    } else {
    }
    %eq3A_14 = arith.constant 3 : i32
    %eq3A_15 = arith.cmpi eq, %arg1, %eq3A_14 : i32
    %convert_element_type3A_16 = arith.extui %eq3A_15 : i1 to i32
    %cond3A_17 = arith.constant 0 : i32
    %cond3A_18 = arith.cmpi ne, %convert_element_type3A_16, %cond3A_17 : i32
    scf.if %cond3A_18 {
      %get3A_19 = arith.constant 0 : index
      %get3A_20 = arith.constant 0 : index
      %get3A_21 = vector.load %arg6[%get3A_19, %get3A_20] : memref<16x512xf32, #tpu.memory_space<vmem>>, vector<16x512xf32>
      %get3A_22 = arith.constant 0 : index
      %get3A_23 = arith.constant 0 : index
      %get3A_24 = vector.load %arg4[%get3A_22, %get3A_23] : memref<1x512xf32, #tpu.memory_space<vmem>>, vector<1x512xf32>
      %add3A = vector.broadcast %get3A_24 : vector<1x512xf32> to vector<16x512xf32>
      %add3A_25 = arith.addf %get3A_21, %add3A : vector<16x512xf32>
      %max3A = arith.constant 0.000000e+00 : f32
      %max3A_26 = vector.broadcast %max3A : f32 to vector<16x512xf32>
      %max3A_27 = arith.maximumf %add3A_25, %max3A_26 : vector<16x512xf32>
      %swap3A = arith.constant 0 : index
      %swap3A_28 = arith.constant 0 : index
      %swap3A_29 = vector.load %arg5[%swap3A, %swap3A_28] : memref<16x512xf32, #tpu.memory_space<vmem>>, vector<16x512xf32>
      tpu.vector_store %arg5[%swap3A, %swap3A_28], %max3A_27 {strides = array<i32>} : memref<16x512xf32, #tpu.memory_space<vmem>>, vector<16x512xf32>,
    } else {
    }
    return
  }
  func.func @transform_0(%arg0: i32, %arg1: i32) -> (i32, i32) {
    %c0_i32 = arith.constant 0 : i32
    %c0_i32_0 = arith.constant 0 : i32
    return %c0_i32, %arg1 : i32, i32
  }
  func.func @transform_1(%arg0: i32, %arg1: i32) -> (i32, i32) {
    %c0_i32 = arith.constant 0 : i32
    return %arg0, %arg1 : i32, i32
  }
  func.func @transform_2(%arg0: i32, %arg1: i32) -> (i32, i32) {
    %c0_i32 = arith.constant 0 : i32
    %c0_i32_0 = arith.constant 0 : i32
    return %c0_i32, %arg0 : i32, i32
  }
  func.func @transform_3(%arg0: i32, %arg1: i32) -> (i32, i32) {
    %c0_i32 = arith.constant 0 : i32
    %c0_i32_0 = arith.constant 0 : i32
    return %c0_i32, %arg0 : i32, i32
  }
}

module attributes {stable_mosaic.version = 14 : i64} {
  func.func @_tail_body(%arg0: memref<16x1024xf32, #tpu.memory_space<vmem>>, %arg1: memref<16x1024xf32, #tpu.memory_space<vmem>>, %arg2: memref<256x2048xf32, #tpu.memory_space<vmem>>, %arg3: memref<1x256xf32, #tpu.memory_space<vmem>>, %arg4: memref<1024x256xf32, #tpu.memory_space<vmem>>, %arg5: memref<1024x256xf32, #tpu.memory_space<vmem>>, %arg6: memref<1x1024xf32, #tpu.memory_space<vmem>>, %arg7: memref<1024x1024xf32, #tpu.memory_space<vmem>>, %arg8: memref<1x1024xf32, #tpu.memory_space<vmem>>, %arg9: memref<1024x1024xf32, #tpu.memory_space<vmem>>, %arg10: memref<1x1024xf32, #tpu.memory_space<vmem>>, %arg11: memref<1024x2048xf32, #tpu.memory_space<vmem>>, %arg12: memref<1x1024xf32, #tpu.memory_space<vmem>>, %arg13: memref<1024x1024xf32, #tpu.memory_space<vmem>>, %arg14: memref<1x1024xf32, #tpu.memory_space<vmem>>, %arg15: memref<72x1024xf32, #tpu.memory_space<vmem>>, %arg16: memref<1x72xf32, #tpu.memory_space<vmem>>, %arg17: memref<1x1xf32, #tpu.memory_space<vmem>>, %arg18: memref<16x72xf32, #tpu.memory_space<vmem>>, %arg19: memref<1x1xf32, #tpu.memory_space<vmem>>) attributes {dimension_semantics = [], scalar_prefetch = 0 : i64, scratch_operands = 0 : i64, tpu.core_type = #tpu.core_type<tc>} {
    %get3A = arith.constant 0 : index
    %get3A_0 = arith.constant 0 : index
    %get3A_1 = vector.load %arg0[%get3A, %get3A_0] : memref<16x1024xf32, #tpu.memory_space<vmem>>, vector<16x1024xf32>
    %get3A_2 = arith.constant 0 : index
    %get3A_3 = arith.constant 0 : index
    %get3A_4 = vector.load %arg1[%get3A_2, %get3A_3] : memref<16x1024xf32, #tpu.memory_space<vmem>>, vector<16x1024xf32>
    %concatenate3A = tpu.concatenate %get3A_1, %get3A_4 in 1 : vector<16x1024xf32>, vector<16x1024xf32> -> vector<16x2048xf32>
    %get3A_5 = arith.constant 0 : index
    %get3A_6 = arith.constant 0 : index
    %get3A_7 = vector.load %arg2[%get3A_5, %get3A_6] : memref<256x2048xf32, #tpu.memory_space<vmem>>, vector<256x2048xf32>
    %convert_element_type3A = arith.truncf %concatenate3A : vector<16x2048xf32> to vector<16x2048xbf16>
    %convert_element_type3A_8 = arith.truncf %get3A_7 : vector<256x2048xf32> to vector<256x2048xbf16>
    %dot_general3A = arith.constant dense<0.000000e+00> : vector<16x256xf32>
    %dot_general3A_9 = tpu.matmul %convert_element_type3A, %convert_element_type3A_8, %dot_general3A {dimension_numbers = #tpu.dot_dimension_numbers<[1], [1], [0], [0], [0, 0, 1, 0], [], []>, transpose_lhs_hint = false} : vector<16x2048xbf16>, vector<256x2048xbf16>, vector<16x256xf32> -> vector<16x256xf32>
    %get3A_10 = arith.constant 0 : index
    %get3A_11 = arith.constant 0 : index
    %get3A_12 = vector.load %arg3[%get3A_10, %get3A_11] : memref<1x256xf32, #tpu.memory_space<vmem>>, vector<1x256xf32>
    %add3A = vector.broadcast %get3A_12 : vector<1x256xf32> to vector<16x256xf32>
    %add3A_13 = arith.addf %dot_general3A_9, %add3A : vector<16x256xf32>
    %get3A_14 = arith.constant 0 : index
    %get3A_15 = arith.constant 0 : index
    %get3A_16 = vector.load %arg4[%get3A_14, %get3A_15] : memref<1024x256xf32, #tpu.memory_space<vmem>>, vector<1024x256xf32>
    %mul3A = arith.mulf %add3A_13, %add3A_13 : vector<16x256xf32>
    %reduce_sum3A = arith.constant dense<0.000000e+00> : vector<16xf32>
    %reduce_sum3A_17 = vector.multi_reduction <add>, %mul3A, %reduce_sum3A [1] : vector<16x256xf32> to vector<16xf32>
    %broadcast_in_dim3A = vector.shape_cast %reduce_sum3A_17 : vector<16xf32> to vector<16x1xf32>
    %broadcast_in_dim3A_18 = arith.constant 1.000000e+00 : f32
    %broadcast_in_dim3A_19 = vector.broadcast %broadcast_in_dim3A_18 : f32 to vector<1x256xf32>
    %mul3A_20 = arith.mulf %get3A_16, %get3A_16 : vector<1024x256xf32>
    %dot_general3A_21 = arith.constant dense<0.000000e+00> : vector<1x1024xf32>
    %dot_general3A_22 = tpu.matmul %broadcast_in_dim3A_19, %mul3A_20, %dot_general3A_21 {dimension_numbers = #tpu.dot_dimension_numbers<[1], [1], [0], [0], [0, 0, 1, 0], [], []>, precision = #tpu.contract_precision<fp32>, transpose_lhs_hint = false} : vector<1x256xf32>, vector<1024x256xf32>, vector<1x1024xf32> -> vector<1x1024xf32>
    %convert_element_type3A_23 = arith.truncf %add3A_13 : vector<16x256xf32> to vector<16x256xbf16>
    %convert_element_type3A_24 = arith.truncf %get3A_16 : vector<1024x256xf32> to vector<1024x256xbf16>
    %dot_general3A_25 = arith.constant dense<0.000000e+00> : vector<16x1024xf32>
    %dot_general3A_26 = tpu.matmul %convert_element_type3A_23, %convert_element_type3A_24, %dot_general3A_25 {dimension_numbers = #tpu.dot_dimension_numbers<[1], [1], [0], [0], [0, 0, 1, 0], [], []>, transpose_lhs_hint = false} : vector<16x256xbf16>, vector<1024x256xbf16>, vector<16x1024xf32> -> vector<16x1024xf32>
    %add3A_27 = vector.broadcast %broadcast_in_dim3A : vector<16x1xf32> to vector<16x1024xf32>
    %add3A_28 = vector.broadcast %dot_general3A_22 : vector<1x1024xf32> to vector<16x1024xf32>
    %add3A_29 = arith.addf %add3A_27, %add3A_28 : vector<16x1024xf32>
    %mul3A_30 = arith.constant 2.000000e+00 : f32
    %mul3A_31 = vector.broadcast %mul3A_30 : f32 to vector<16x1024xf32>
    %mul3A_32 = arith.mulf %mul3A_31, %dot_general3A_26 : vector<16x1024xf32>
    %sub3A = arith.subf %add3A_29, %mul3A_32 : vector<16x1024xf32>
    %iota3A = tpu.iota {dimensions = array<i32: 1>} : vector<16x1024xi32>
    %reduce_min3A = arith.constant dense<0x7F800000> : vector<16xf32>
    %reduce_min3A_33 = vector.multi_reduction <minimumf>, %sub3A, %reduce_min3A [1] : vector<16x1024xf32> to vector<16xf32>
    %broadcast_in_dim3A_34 = vector.shape_cast %reduce_min3A_33 : vector<16xf32> to vector<16x1xf32>
    %eq3A = vector.broadcast %broadcast_in_dim3A_34 : vector<16x1xf32> to vector<16x1024xf32>
    %eq3A_35 = arith.cmpf oeq, %sub3A, %eq3A : vector<16x1024xf32>
    %jit3A = arith.constant 1024 : i32
    %broadcast_in_dim3A_36 = vector.broadcast %jit3A : i32 to vector<16x1024xi32>
    %select_n3A = arith.select %eq3A_35, %iota3A, %broadcast_in_dim3A_36 : vector<16x1024xi1>, vector<16x1024xi32>
    %reduce_min3A_37 = arith.constant dense<2147483647> : vector<16xi32>
    %reduce_min3A_38 = vector.multi_reduction <minsi>, %select_n3A, %reduce_min3A_37 [1] : vector<16x1024xi32> to vector<16xi32>
    %broadcast_in_dim3A_39 = vector.shape_cast %reduce_min3A_38 : vector<16xi32> to vector<16x1xi32>
    %eq3A_40 = vector.broadcast %broadcast_in_dim3A_39 : vector<16x1xi32> to vector<16x1024xi32>
    %eq3A_41 = arith.cmpi eq, %iota3A, %eq3A_40 : vector<16x1024xi32>
    %convert_element_type3A_42 = arith.extui %eq3A_41 : vector<16x1024xi1> to vector<16x1024xi32>
    %convert_element_type3A_43 = arith.sitofp %convert_element_type3A_42 : vector<16x1024xi32> to vector<16x1024xf32>
    %convert_element_type3A_44 = arith.truncf %convert_element_type3A_43 : vector<16x1024xf32> to vector<16x1024xbf16>
    %convert_element_type3A_45 = arith.truncf %get3A_16 : vector<1024x256xf32> to vector<1024x256xbf16>
    %dot_general3A_46 = arith.constant dense<0.000000e+00> : vector<16x256xf32>
    %dot_general3A_47 = tpu.matmul %convert_element_type3A_44, %convert_element_type3A_45, %dot_general3A_46 {dimension_numbers = #tpu.dot_dimension_numbers<[1], [0], [0], [1], [0, 0, 1, 1], [], []>, transpose_lhs_hint = false} : vector<16x1024xbf16>, vector<1024x256xbf16>, vector<16x256xf32> -> vector<16x256xf32>
    %sub3A_48 = arith.subf %dot_general3A_47, %add3A_13 : vector<16x256xf32>
    %mul3A_49 = arith.mulf %sub3A_48, %sub3A_48 : vector<16x256xf32>
    %reduce_sum3A_50 = arith.constant dense<0.000000e+00> : vector<16xf32>
    %reduce_sum3A_51 = vector.multi_reduction <add>, %mul3A_49, %reduce_sum3A_50 [1] : vector<16x256xf32> to vector<16xf32>
    %broadcast_in_dim3A_52 = vector.shape_cast %reduce_sum3A_51 : vector<16xf32> to vector<16x1xf32>
    %reduce_sum3A_53 = arith.constant dense<0.000000e+00> : vector<1xf32>
    %reduce_sum3A_54 = vector.multi_reduction <add>, %broadcast_in_dim3A_52, %reduce_sum3A_53 [0] : vector<16x1xf32> to vector<1xf32>
    %broadcast_in_dim3A_55 = vector.shape_cast %reduce_sum3A_54 : vector<1xf32> to vector<1x1xf32>
    %mul3A_56 = arith.constant 2.500000e-01 : f32
    %mul3A_57 = vector.broadcast %mul3A_56 : f32 to vector<1x1xf32>
    %mul3A_58 = arith.mulf %mul3A_57, %broadcast_in_dim3A_55 : vector<1x1xf32>
    %div3A = arith.constant 4.096000e+03 : f32
    %div3A_59 = vector.broadcast %div3A : f32 to vector<1x1xf32>
    %div3A_60 = arith.divf %mul3A_58, %div3A_59 : vector<1x1xf32>
    %swap3A = arith.constant 0 : index
    %swap3A_61 = arith.constant 0 : index
    %swap3A_62 = vector.load %arg17[%swap3A, %swap3A_61] : memref<1x1xf32, #tpu.memory_space<vmem>>, vector<1x1xf32>
    tpu.vector_store %arg17[%swap3A, %swap3A_61], %div3A_60 {strides = array<i32>} : memref<1x1xf32, #tpu.memory_space<vmem>>, vector<1x1xf32>,
    %reduce_sum3A_63 = arith.constant dense<0.000000e+00> : vector<1024xf32>
    %reduce_sum3A_64 = vector.multi_reduction <add>, %convert_element_type3A_43, %reduce_sum3A_63 [0] : vector<16x1024xf32> to vector<1024xf32>
    %broadcast_in_dim3A_65 = vector.shape_cast %reduce_sum3A_64 : vector<1024xf32> to vector<1x1024xf32>
    %div3A_66 = arith.constant 1.600000e+01 : f32
    %div3A_67 = vector.broadcast %div3A_66 : f32 to vector<1x1024xf32>
    %div3A_68 = arith.divf %broadcast_in_dim3A_65, %div3A_67 : vector<1x1024xf32>
    %add3A_69 = arith.constant 1.000000e-10 : f32
    %add3A_70 = vector.broadcast %add3A_69 : f32 to vector<1x1024xf32>
    %add3A_71 = arith.addf %div3A_68, %add3A_70 : vector<1x1024xf32>
    %log3A = math.log %add3A_71 : vector<1x1024xf32>
    %mul3A_72 = arith.mulf %div3A_68, %log3A : vector<1x1024xf32>
    %reduce_sum3A_73 = arith.constant dense<0.000000e+00> : vector<1xf32>
    %reduce_sum3A_74 = vector.multi_reduction <add>, %mul3A_72, %reduce_sum3A_73 [1] : vector<1x1024xf32> to vector<1xf32>
    %broadcast_in_dim3A_75 = vector.shape_cast %reduce_sum3A_74 : vector<1xf32> to vector<1x1xf32>
    %neg3A = arith.constant 0.000000e+00 : f32
    %neg3A_76 = vector.broadcast %neg3A : f32 to vector<1x1xf32>
    %neg3A_77 = arith.subf %neg3A_76, %broadcast_in_dim3A_75 : vector<1x1xf32>
    %exp3A = math.exp %neg3A_77 : vector<1x1xf32>
    %swap3A_78 = arith.constant 0 : index
    %swap3A_79 = arith.constant 0 : index
    %swap3A_80 = vector.load %arg19[%swap3A_78, %swap3A_79] : memref<1x1xf32, #tpu.memory_space<vmem>>, vector<1x1xf32>
    tpu.vector_store %arg19[%swap3A_78, %swap3A_79], %exp3A {strides = array<i32>} : memref<1x1xf32, #tpu.memory_space<vmem>>, vector<1x1xf32>,
    %get3A_81 = arith.constant 0 : index
    %get3A_82 = arith.constant 0 : index
    %get3A_83 = vector.load %arg5[%get3A_81, %get3A_82] : memref<1024x256xf32, #tpu.memory_space<vmem>>, vector<1024x256xf32>
    %convert_element_type3A_84 = arith.truncf %dot_general3A_47 : vector<16x256xf32> to vector<16x256xbf16>
    %convert_element_type3A_85 = arith.truncf %get3A_83 : vector<1024x256xf32> to vector<1024x256xbf16>
    %dot_general3A_86 = arith.constant dense<0.000000e+00> : vector<16x1024xf32>
    %dot_general3A_87 = tpu.matmul %convert_element_type3A_84, %convert_element_type3A_85, %dot_general3A_86 {dimension_numbers = #tpu.dot_dimension_numbers<[1], [1], [0], [0], [0, 0, 1, 0], [], []>, transpose_lhs_hint = false} : vector<16x256xbf16>, vector<1024x256xbf16>, vector<16x1024xf32> -> vector<16x1024xf32>
    %get3A_88 = arith.constant 0 : index
    %get3A_89 = arith.constant 0 : index
    %get3A_90 = vector.load %arg6[%get3A_88, %get3A_89] : memref<1x1024xf32, #tpu.memory_space<vmem>>, vector<1x1024xf32>
    %add3A_91 = vector.broadcast %get3A_90 : vector<1x1024xf32> to vector<16x1024xf32>
    %add3A_92 = arith.addf %dot_general3A_87, %add3A_91 : vector<16x1024xf32>
    %max3A = arith.constant 0.000000e+00 : f32
    %max3A_93 = vector.broadcast %max3A : f32 to vector<16x1024xf32>
    %max3A_94 = arith.maximumf %add3A_92, %max3A_93 : vector<16x1024xf32>
    %get3A_95 = arith.constant 0 : index
    %get3A_96 = arith.constant 0 : index
    %get3A_97 = vector.load %arg7[%get3A_95, %get3A_96] : memref<1024x1024xf32, #tpu.memory_space<vmem>>, vector<1024x1024xf32>
    %convert_element_type3A_98 = arith.truncf %max3A_94 : vector<16x1024xf32> to vector<16x1024xbf16>
    %convert_element_type3A_99 = arith.truncf %get3A_97 : vector<1024x1024xf32> to vector<1024x1024xbf16>
    %dot_general3A_100 = arith.constant dense<0.000000e+00> : vector<16x1024xf32>
    %dot_general3A_101 = tpu.matmul %convert_element_type3A_98, %convert_element_type3A_99, %dot_general3A_100 {dimension_numbers = #tpu.dot_dimension_numbers<[1], [1], [0], [0], [0, 0, 1, 0], [], []>, transpose_lhs_hint = false} : vector<16x1024xbf16>, vector<1024x1024xbf16>, vector<16x1024xf32> -> vector<16x1024xf32>
    %get3A_102 = arith.constant 0 : index
    %get3A_103 = arith.constant 0 : index
    %get3A_104 = vector.load %arg8[%get3A_102, %get3A_103] : memref<1x1024xf32, #tpu.memory_space<vmem>>, vector<1x1024xf32>
    %add3A_105 = vector.broadcast %get3A_104 : vector<1x1024xf32> to vector<16x1024xf32>
    %add3A_106 = arith.addf %dot_general3A_101, %add3A_105 : vector<16x1024xf32>
    %max3A_107 = arith.constant 0.000000e+00 : f32
    %max3A_108 = vector.broadcast %max3A_107 : f32 to vector<16x1024xf32>
    %max3A_109 = arith.maximumf %add3A_106, %max3A_108 : vector<16x1024xf32>
    %get3A_110 = arith.constant 0 : index
    %get3A_111 = arith.constant 0 : index
    %get3A_112 = vector.load %arg1[%get3A_110, %get3A_111] : memref<16x1024xf32, #tpu.memory_space<vmem>>, vector<16x1024xf32>
    %get3A_113 = arith.constant 0 : index
    %get3A_114 = arith.constant 0 : index
    %get3A_115 = vector.load %arg9[%get3A_113, %get3A_114] : memref<1024x1024xf32, #tpu.memory_space<vmem>>, vector<1024x1024xf32>
    %convert_element_type3A_116 = arith.truncf %get3A_112 : vector<16x1024xf32> to vector<16x1024xbf16>
    %convert_element_type3A_117 = arith.truncf %get3A_115 : vector<1024x1024xf32> to vector<1024x1024xbf16>
    %dot_general3A_118 = arith.constant dense<0.000000e+00> : vector<16x1024xf32>
    %dot_general3A_119 = tpu.matmul %convert_element_type3A_116, %convert_element_type3A_117, %dot_general3A_118 {dimension_numbers = #tpu.dot_dimension_numbers<[1], [1], [0], [0], [0, 0, 1, 0], [], []>, transpose_lhs_hint = false} : vector<16x1024xbf16>, vector<1024x1024xbf16>, vector<16x1024xf32> -> vector<16x1024xf32>
    %get3A_120 = arith.constant 0 : index
    %get3A_121 = arith.constant 0 : index
    %get3A_122 = vector.load %arg10[%get3A_120, %get3A_121] : memref<1x1024xf32, #tpu.memory_space<vmem>>, vector<1x1024xf32>
    %add3A_123 = vector.broadcast %get3A_122 : vector<1x1024xf32> to vector<16x1024xf32>
    %add3A_124 = arith.addf %dot_general3A_119, %add3A_123 : vector<16x1024xf32>
    %max3A_125 = arith.constant 0.000000e+00 : f32
    %max3A_126 = vector.broadcast %max3A_125 : f32 to vector<16x1024xf32>
    %max3A_127 = arith.maximumf %add3A_124, %max3A_126 : vector<16x1024xf32>
    %concatenate3A_128 = tpu.concatenate %max3A_109, %max3A_127 in 1 : vector<16x1024xf32>, vector<16x1024xf32> -> vector<16x2048xf32>
    %get3A_129 = arith.constant 0 : index
    %get3A_130 = arith.constant 0 : index
    %get3A_131 = vector.load %arg11[%get3A_129, %get3A_130] : memref<1024x2048xf32, #tpu.memory_space<vmem>>, vector<1024x2048xf32>
    %convert_element_type3A_132 = arith.truncf %concatenate3A_128 : vector<16x2048xf32> to vector<16x2048xbf16>
    %convert_element_type3A_133 = arith.truncf %get3A_131 : vector<1024x2048xf32> to vector<1024x2048xbf16>
    %dot_general3A_134 = arith.constant dense<0.000000e+00> : vector<16x1024xf32>
    %dot_general3A_135 = tpu.matmul %convert_element_type3A_132, %convert_element_type3A_133, %dot_general3A_134 {dimension_numbers = #tpu.dot_dimension_numbers<[1], [1], [0], [0], [0, 0, 1, 0], [], []>, transpose_lhs_hint = false} : vector<16x2048xbf16>, vector<1024x2048xbf16>, vector<16x1024xf32> -> vector<16x1024xf32>
    %get3A_136 = arith.constant 0 : index
    %get3A_137 = arith.constant 0 : index
    %get3A_138 = vector.load %arg12[%get3A_136, %get3A_137] : memref<1x1024xf32, #tpu.memory_space<vmem>>, vector<1x1024xf32>
    %add3A_139 = vector.broadcast %get3A_138 : vector<1x1024xf32> to vector<16x1024xf32>
    %add3A_140 = arith.addf %dot_general3A_135, %add3A_139 : vector<16x1024xf32>
    %max3A_141 = arith.constant 0.000000e+00 : f32
    %max3A_142 = vector.broadcast %max3A_141 : f32 to vector<16x1024xf32>
    %max3A_143 = arith.maximumf %add3A_140, %max3A_142 : vector<16x1024xf32>
    %get3A_144 = arith.constant 0 : index
    %get3A_145 = arith.constant 0 : index
    %get3A_146 = vector.load %arg13[%get3A_144, %get3A_145] : memref<1024x1024xf32, #tpu.memory_space<vmem>>, vector<1024x1024xf32>
    %convert_element_type3A_147 = arith.truncf %max3A_143 : vector<16x1024xf32> to vector<16x1024xbf16>
    %convert_element_type3A_148 = arith.truncf %get3A_146 : vector<1024x1024xf32> to vector<1024x1024xbf16>
    %dot_general3A_149 = arith.constant dense<0.000000e+00> : vector<16x1024xf32>
    %dot_general3A_150 = tpu.matmul %convert_element_type3A_147, %convert_element_type3A_148, %dot_general3A_149 {dimension_numbers = #tpu.dot_dimension_numbers<[1], [1], [0], [0], [0, 0, 1, 0], [], []>, transpose_lhs_hint = false} : vector<16x1024xbf16>, vector<1024x1024xbf16>, vector<16x1024xf32> -> vector<16x1024xf32>
    %get3A_151 = arith.constant 0 : index
    %get3A_152 = arith.constant 0 : index
    %get3A_153 = vector.load %arg14[%get3A_151, %get3A_152] : memref<1x1024xf32, #tpu.memory_space<vmem>>, vector<1x1024xf32>
    %add3A_154 = vector.broadcast %get3A_153 : vector<1x1024xf32> to vector<16x1024xf32>
    %add3A_155 = arith.addf %dot_general3A_150, %add3A_154 : vector<16x1024xf32>
    %max3A_156 = arith.constant 0.000000e+00 : f32
    %max3A_157 = vector.broadcast %max3A_156 : f32 to vector<16x1024xf32>
    %max3A_158 = arith.maximumf %add3A_155, %max3A_157 : vector<16x1024xf32>
    %get3A_159 = arith.constant 0 : index
    %get3A_160 = arith.constant 0 : index
    %get3A_161 = vector.load %arg15[%get3A_159, %get3A_160] : memref<72x1024xf32, #tpu.memory_space<vmem>>, vector<72x1024xf32>
    %convert_element_type3A_162 = arith.truncf %max3A_158 : vector<16x1024xf32> to vector<16x1024xbf16>
    %convert_element_type3A_163 = arith.truncf %get3A_161 : vector<72x1024xf32> to vector<72x1024xbf16>
    %dot_general3A_164 = arith.constant dense<0.000000e+00> : vector<16x72xf32>
    %dot_general3A_165 = tpu.matmul %convert_element_type3A_162, %convert_element_type3A_163, %dot_general3A_164 {dimension_numbers = #tpu.dot_dimension_numbers<[1], [1], [0], [0], [0, 0, 1, 0], [], []>, transpose_lhs_hint = false} : vector<16x1024xbf16>, vector<72x1024xbf16>, vector<16x72xf32> -> vector<16x72xf32>
    %get3A_166 = arith.constant 0 : index
    %get3A_167 = arith.constant 0 : index
    %get3A_168 = vector.load %arg16[%get3A_166, %get3A_167] : memref<1x72xf32, #tpu.memory_space<vmem>>, vector<1x72xf32>
    %add3A_169 = vector.broadcast %get3A_168 : vector<1x72xf32> to vector<16x72xf32>
    %add3A_170 = arith.addf %dot_general3A_165, %add3A_169 : vector<16x72xf32>
    %swap3A_171 = arith.constant 0 : index
    %swap3A_172 = arith.constant 0 : index
    %swap3A_173 = vector.load %arg18[%swap3A_171, %swap3A_172] : memref<16x72xf32, #tpu.memory_space<vmem>>, vector<16x72xf32>
    tpu.vector_store %arg18[%swap3A_171, %swap3A_172], %add3A_170 {strides = array<i32>} : memref<16x72xf32, #tpu.memory_space<vmem>>, vector<16x72xf32>,
    return
  }
}

</mosaic_0001>

<sc_bundles>
// kernel: sparse-core-data-format-call.cloned.1.call-start
scs
called_computation_lowered:
.L_overlay_start_0:
0x0: {  	s1 =	sld [smem:$0x3FD9]  }
0x1: {  	s2 =	sld [smem:$0x3FFE];
	_ =	sdelay $0x1  }
0x2: {  	s3 =	srdreg.scid  }
0x3: {  	s0 =	sand.u32 $0x1, s3  }
0x4: {  	s17 =	sshll.u32 s0, $0xA;
	s1 =	sadd.s32 s2, s1  }
0x5: {  	s1 =	sadd.s32 s1, s17  }
0x6: {  	[smem:$0x3F9E] =	sst s1  }
0x7: {  	_ = 	snop  }
0x8: {  	(tm) =	ssettm $0x1  }
0x9: {  	s18 =	sld [smem:$0x3FFB];
	_ =	sdelay $0x3  }
0xa: {  	_ =	strace s18  }
0xb: {  	s1 =	sld [smem:$0x3FFC];
	_ =	sdelay $0x3  }
0xc: {  	_ =	strace s1  }
0xd: {  	s1 =	sld [smem:$0x3FFD];
	_ =	sdelay $0x3  }
0xe: {  	_ =	strace s1  }
0xf: {  	_ =	strace $0x8FFFFFFF  }
0x10: {  	s19 =	sld [smem:$0x3FDB];
	_ =	sdelay $0x1  }
0x11: {  	s20 =	simm.s32 $_scs_section_size  }
0x12: {  	s4 =	simm.s32 $_size__tile_overlayer_lowered;
	s5 =	simm.s32 $_tile_overlayer_lowered  }
0x13: {  	s23 =	simm.s32 $0x1BFF;
	s22 =	sshll.u32 s5, $0x1;
	s1 =	sadd.s32 s20, s19  }
0x14: {  	s6 =	simm.s32 $0x0;
	s21 =	sshll.u32 s4, $0x1;
	s4 =	sadd.s32 s22, s1  }
0x15: {  	[timem:s6], [sflag:s23] =	dma.local [hbm:s4], s21  }
0x16: {  	_ =	swait.ge [sflag:s23], s21  }
0x17: {  	s2 =	ssub.s32 $0x0, s21;
	[sflag:s23] =	ssyncset.done $0x0  }
0x18: {  	[sflag:s23] =	ssyncadd.s32 s2;
	_ =	sdelay $0x1  }
0x19: {  	s24 =	simm.s32 $0x1B8B  }
0x1a: {  	_ =	swait.ge [sflag:s24], $0x1  }
0x1b: {  	[sflag:s24] =	ssyncset.done $0x0  }
0x1c: {  	s26 =	simm.s32 $0x1B8E;
	s25 =	sld [smem:$0x3FFE];
	[sflag:s24] =	ssyncadd.s32 $0xFFFFFFFF  }
0x1d: {  	s27 =	simm.s32 $execute0_lowered;
	[smem:$0x3FD2] =	sst s26  }
0x1e: {  	s4 =	sshll.u32 s27, $0x1;
	_ =	strace $0x80000046;
	[dreg:$0x1] =	wrdreg $0xFFFFFFFF  }
0x1f: {  	s28 =	simm.s32 $_size_execute0_lowered;
	s1 =	sadd.s32 s1, s4;
	[dreg:$0x0] =	wrdreg $0x0  }
0x20: {  	s4 =	sshll.u32 s28, $0x1;
	[dreg:$0x2] =	wrdreg s1  }
0x21: {  	[dreg:$0x3] =	wrdreg s4  }
0x22: {  	[dreg:$0x4] =	wrdreg $0xC0  }
0x23: {  	_ =	task [dreg:s6], $0x5FFFF  }
0x24: {  	[dreg:$0x1] =	wrdreg $0xFFFFFFFF  }
0x25: {  	[dreg:$0x0] =	wrdreg $0x60  }
0x26: {  	[dreg:$0x2] =	wrdreg s25  }
0x27: {  	[dreg:$0x3] =	wrdreg $0x9  }
0x28: {  	_ =	task.clear_ibuf [dreg:s6], $0x4FFFF;
	_ =	strace $0x90000046  }
0x29: {  	s29 =	simm.s32 $0x9;
	_ =	strace $0x80000048  }
0x2a: {  	_ =	swait.ge [sflag:s29], $0x1  }
0x2b: {  	[sflag:s29] =	ssyncadd.s32 $0xFFFFFFFF  }
0x2c: {  	_ =	strace $0x90000048  }
0x2d: {  	_ =	sfence  }
0x2e: {  	s30 =	sld [smem:$0x0];
	_ =	sdelay $0x2  }
0x2f: {  	s31 =	sshll.u32 s3, $0xD;
	s3 =	sshrl.u32 s3, $0x2  }
0x30: {  	s2 =	sand.u32 $0x4000, s31;
	s1 =	sadd.s32 s3, s30  }
0x31: {  	s0 =	sor.u32 s2, s0;
	s1 =	sshll.u32 s1, $0x11  }
0x32: {  	s0 =	sor.u32 s1, s0  }
0x33: {  	s0 =	sadd.s32 $0x8F2B, s0  }
0x34: {  	[sflag:s0] =	ssyncadd.remote.s32 $0x1  }
0x35: {  	_ =	sfence.sel $0xFFFF  }
0x36: {  	[dreg:$0x0] =	wrdreg $0xFFFFFFFF;
	(pc) =	sbr.abs _section_cstart, $3  }
0x37: {  	[dreg:$0x1] =	wrdreg $0xFFFFFFFF  }
0x38: {  	_ =	task.clear_ibuf [dreg:s6], $0x2FFFF;
	_ =	strace $0x9FFFFFFF  }
0x39: {  	(tm) =	ssettm $0x7FFFFFFF  }
tec
execute0_lowered:
.L_overlay_start_1:
0x0: {  	(tag) =	ssettag $0x1  }
0x1: {  	s0 =	srdreg.scid  }
0x2: {  	s1 =	rddreg [dreg:$0x0];
	_ =	strace $0x80000047;
	s31 =	stileid.u32  }
0x3: {  	s9 =	simm.s32 $0x2;
	s25 =	simm.s32 $0x0;
	p0 =	por $0x0, $0x0  }
0x4: {  	s22 =	simm.s32 $0x0;
	s23 =	simm.s32 $0x0;
	s26 =	simm.s32 $0x0  }
0x5: {  	s24 =	simm.s32 $0x0;
	s11 =	simm.s32 $0x0;
	s12 =	simm.s32 $0x0  }
0x6: {  	s13 =	simm.s32 $0x0;
	s14 =	simm.s32 $0x0;
	s17 =	simm.s32 $0x0  }
0x7: {  	s19 =	simm.s32 $0x0;
	s21 =	simm.s32 $0x0;
	s2 =	sand.u32 $0x1, s0  }
0x8: {  	s3 =	sadd.s32 $0x251E00, s1;
	s30 =	sadd.s32 $0x5E1E00, s1;
	s5 =	ssub.s32 $0x4, s2  }
.Ltmp0:
0x9: {  	s7 =	sand.u32 $0x3, s31;
	s6 =	sshrl.u32 s5, $0x1;
	(pc) =	sbr.rel .LBB1_1-.Ltmp0, $4  }
0xa: {  	s8 =	sshrl.u32 s31, $0x2;
	s1 =	simm.s32 $0x0;
	s6 =	ssub.s32 s5, s6  }
0xb: {  	[dreg:$0x2] =	wrdreg s30;
	s5 =	simm.s32 $0x1;
	s6 =	smul.u32 $0x39, s6  }
0xc: {  	s16 =	smov.u32 s2;
	s18 =	smov.u32 s8;
	[sflag:s5] =	ssyncpa.u1 $0x0  }
0xd: {  	s20 =	smov.u32 s7;
	[sflag:s9] =	ssyncpa.u1 $0x0;
	s9 =	sadd.s32 $0x1, s6  }
.LBB1_4:
0xe: {  	p1 =	sgt.s32 s14, $0x38;
	s0 =	smov.u32 s14;
	s29 =	sshra.s32 s14, $0x1F  }
0xf: {  	s15 =	sshrl.u32 s12, $0x4;
	p2 =	sgt.s32 s13, $0x3;
	s31 =	smov.u32 s13  }
0x10: {  	s4 =	sshra.s32 s13, $0x1F;
	s10 =	sshra.s32 s1, $0x1F;
	p4 =	sgt.s32 s12, $0x40  }
0x11: {  	s0 =	simm.s32 @!p1 $0x38;
	s29 =	sand.u32 s29, s14;
	s31 =	simm.s32 @!p2 $0x3  }
0x12: {  	p2 =	sgt.s32 s1, $0x3;
	s10 =	sand.u32 s10, s1;
	s0 =	ssub.s32 s0, s29  }
0x13: {  	s29 =	sand.u32 $0x1FFFFF8, s15;
	s15 =	smov.u32 s1;
	s30 =	sadd.s32 $0xFFFFFFC8, s0  }
0x14: {  	s15 =	simm.s32 @!p2 $0x3;
	s0 =	ssub.s32 $0x39, s0;
	p1 =	sgt.s32 s30, $0x0  }
0x15: {  	s30 =	sand.u32 s4, s13;
	s4 =	smulhi.u32 $0x5555556, s29;
	s10 =	ssub.s32 s15, s10  }
0x16: {  	s30 =	ssub.s32 s31, s30;
	s31 =	sadd.s32 $0xFFFFFFFD, s10;
	s10 =	ssub.s32 $0x4, s10  }
0x17: {  	s0 =	simm.s32 @p1 $0x0;
	p1 =	sgt.s32 s11, $0x3;
	s15 =	sadd.s32 $0xFFFFFFFD, s30  }
0x18: {  	p3 =	sgt.s32 s31, $0x0;
	s31 =	sshra.s32 s12, $0x1F;
	s10 =	smul.u32 $0x30, s10  }
0x19: {  	s4 =	smul.u32 $0x30, s4;
	p2 =	sgt.s32 s15, $0x0;
	s15 =	smov.u32 s12  }
0x1a: {  	s30 =	ssub.s32 $0x4, s30;
	s31 =	sand.u32 s31, s12;
	s15 =	simm.s32 @!p4 $0x40  }
0x1b: {  	s10 =	simm.s32 @p3 $0x0;
	s4 =	ssub.s32 s29, s4;
	s29 =	smul.u32 $0xC00, s13  }
0x1c: {  	s30 =	simm.s32 @p2 $0x0;
	s15 =	ssub.s32 s15, s31;
	s0 =	smul.u32 s0, s10  }
0x1d: {  	s10 =	smov.u32 s11;
	s31 =	sadd.s32 $0xFFFFFFC0, s15;
	s15 =	ssub.s32 $0x80, s15  }
0x1e: {  	p2 =	sgt.s32 s31, $0x3F;
	s0 =	smul.u32 s30, s0;
	s31 =	sshra.s32 s11, $0x1F  }
0x1f: {  	s10 =	simm.s32 @!p1 $0x3;
	s30 =	sand.u32 s31, s11;
	s15 =	simm.s32 @p2 $0x0  }
0x20: {  	s10 =	ssub.s32 s10, s30;
	s0 =	smul.u32 s15, s0  }
0x21: {  	s30 =	smul.u32 $0x300, s1;
	s31 =	sadd.s32 $0xFFFFFFFD, s10  }
0x22: {  	s15 =	smul.u32 $0xC000, s14;
	p1 =	sgt.s32 s31, $0x0;
	s31 =	rddreg [dreg:$0x2]  }
0x23: {  	s4 =	sshll.u32 s4, $0x4;
	s10 =	ssub.s32 $0x4, s10;
	s30 =	sadd.s32 s31, s30  }
0x24: {  	s10 =	simm.s32 @p1 $0x0;
	s15 =	sadd.s32 s15, s30;
	s30 =	smul.u32 $0x3000, s11  }
0x25: {  	s31 =	sshrl.u32 s12, $0x3;
	s0 =	smul.u32 s10, s0;
	s15 =	sadd.s32 s29, s15  }
0x26: {  	[tilespmem:s28+$0x410 ss:$0x41] =	vst.msk $0xffff, v2;
	s10 =	sand.u32 $0xF, s31;
	s31 =	sand.u32 $0x7, s12;
	s15 =	sadd.s32 s30, s15  }
0x27: {  	[tilespmem:s28+$0x820 ss:$0x41] =	vst.msk $0xffff, v0;
	s29 =	sshll.u32 s31, $0x12;
	s31 =	simm.s32 $0x80;
	s10 =	sadd.s32 s10, s15  }
0x28: {  	[tilespmem:s28+$0x0 ss:$0x41] =	vst.msk $0xffff, v1;
	s0 =	sand.u32 $0x3FFFFFF0, s0;
	s30 =	sor.u32 $0x40, s29;
	s4 =	sadd.s32 s4, s10  }
0x29: {  	[hbm4b:s4+s30] =	stream.strided.scatter [tilespmem:s27], [sflag:$0x2], s0, s31, s30, $0x18;
	[tilespmem:$0x4080] =	vst v63  }
.LBB1_5:
0x2a: {  	p1 =	slt.u32 s21, $0x2;
	s0 =	smov.u32 s26;
	s27 =	sadd.s32 $0x2, s16  }
0x2b: {  	s28 =	smov.u32 s17;
	s29 =	smov.u32 s20;
	p0 =	por !p0, !p0  }
0x2c: {  	p2 =	sgt.s32 @!p1 s26, $0x38;
	s4 =	sshra.s32 @!p1 s26, $0x1F;
	p3 =	sgt.s32 @!p1 s25, $0x3  }
0x2d: {  	s10 =	sshra.s32 @!p1 s25, $0x1F;
	s15 =	sshra.s32 @!p1 s24, $0x1F;
	p2 =	por !p2, p1  }
0x2e: {  	p5 =	sgt.s32 @!p1 s22, $0x40;
	s4 =	sand.u32 @!p1 s4, s26;
	s0 =	simm.s32 @p2 $0x38  }
0x2f: {  	p3 =	por !p3, p1;
	s10 =	sand.u32 @!p1 s10, s25;
	s0 =	ssub.s32 @!p1 s0, s4  }
0x30: {  	s15 =	sand.u32 @!p1 s15, s24;
	p5 =	por !p5, p1;
	s4 =	sadd.s32 @!p1 $0xFFFFFFC8, s0  }
0x31: {  	s26 =	smov.u32 s14;
	p2 =	sgt.s32 @!p1 s4, $0x0;
	s4 =	smov.u32 s25  }
0x32: {  	s0 =	ssub.s32 @!p1 $0x39, s0;
	p2 =	por !p2, p1;
	s4 =	simm.s32 @p3 $0x3  }
0x33: {  	p3 =	sgt.s32 @!p1 s23, $0x3;
	s0 =	simm.s32 @!p2 $0x0;
	s4 =	ssub.s32 @!p1 s4, s10  }
0x34: {  	p2 =	por !p3, p1;
	s10 =	sshra.s32 @!p1 s23, $0x1F;
	p3 =	sgt.s32 @!p1 s24, $0x3  }
0x35: {  	s25 =	smov.u32 s23;
	s10 =	sand.u32 @!p1 s10, s23;
	p3 =	por !p3, p1  }
0x36: {  	s23 =	smov.u32 s24;
	s24 =	sadd.s32 @!p1 $0xFFFFFFFD, s4;
	s25 =	simm.s32 @p2 $0x3  }
0x37: {  	s4 =	ssub.s32 @!p1 $0x4, s4;
	s23 =	simm.s32 @p3 $0x3;
	s10 =	ssub.s32 @!p1 s25, s10  }
0x38: {  	p2 =	sgt.s32 @!p1 s24, $0x0;
	s15 =	ssub.s32 @!p1 s23, s15;
	s23 =	sadd.s32 @!p1 $0xFFFFFFFD, s10  }
0x39: {  	s24 =	sadd.s32 @!p1 $0xFFFFFFFD, s15;
	p3 =	sgt.s32 @!p1 s23, $0x0;
	s15 =	ssub.s32 @!p1 $0x4, s15  }
0x3a: {  	s23 =	smov.u32 s22;
	p4 =	sgt.s32 @!p1 s24, $0x0;
	s24 =	sshra.s32 @!p1 s22, $0x1F  }
0x3b: {  	s23 =	simm.s32 @p5 $0x40;
	s15 =	smul.u32 @!p1 $0x30, s15;
	s22 =	sand.u32 @!p1 s24, s22  }
0x3c: {  	s10 =	ssub.s32 @!p1 $0x4, s10;
	p4 =	por !p4, p1;
	s22 =	ssub.s32 @!p1 s23, s22  }
0x3d: {  	p3 =	por !p3, p1;
	s15 =	simm.s32 @!p4 $0x0;
	s23 =	sadd.s32 @!p1 $0xFFFFFFC0, s22  }
0x3e: {  	s10 =	simm.s32 @!p3 $0x0;
	s0 =	smul.u32 @!p1 s0, s15;
	p3 =	sgt.s32 @!p1 s23, $0x3F  }
0x3f: {  	p5 =	por !p2, p1;
	s15 =	ssub.s32 @!p1 $0x80, s22;
	p4 =	por !p3, p1  }
0x40: {  	s0 =	smul.u32 @!p1 s10, s0;
	p3 =	sgt.s32 s27, $0x3;
	s10 =	sadd.s32 $0x40, s17  }
0x41: {  	s15 =	simm.s32 @!p4 $0x0;
	s28 =	smov.u32 @p3 s10;
	s10 =	sadd.s32 $0x4, s18  }
0x42: {  	s0 =	smul.u32 @!p1 s15, s0;
	p2 =	sgt.s32 s28, $0x3F;
	s15 =	smov.u32 s18  }
0x43: {  	s14 =	smov.u32 s19;
	s4 =	simm.s32 @!p5 $0x0;
	s15 =	smov.u32 @p2 s10  }
0x44: {  	s0 =	smul.u32 @!p1 s4, s0;
	p4 =	sgt.s32 s15, $0x3;
	s4 =	simm.s32 $0x1  }
0x45: {  	s25 =	smov.u32 s11;
	s11 =	smov.u32 s16;
	s4 =	simm.s32 @!p4 $0x0  }
0x46: {  	s24 =	smov.u32 s1;
	s1 =	smov.u32 s20;
	s4 =	sadd.s32 s4, s19  }
0x47: {  	s22 =	sadd.s32 $0x4, s20;
	s23 =	smov.u32 s13;
	p5 =	sgt.s32 s4, $0x38  }
0x48: {  	s13 =	smov.u32 s18;
	s27 =	smov.u32 @p3 s2;
	s29 =	smov.u32 @p5 s22  }
0x49: {  	s16 =	smov.u32 s27;
	s28 =	simm.s32 @p2 $0x0;
	p2 =	sgt.s32 s29, $0x3  }
0x4a: {  	s10 =	simm.s32 @!p1 $0x2;
	s29 =	smov.u32 @p2 s7;
	p2 =	sne.s32 s21, s9  }
.Ltmp1:
0x4b: {  	s15 =	smov.u32 @p4 s8;
	s0 =	sand.u32 @!p1 $0x3FFFFFF0, s0;
	(pc) =	sbr.rel @!p2 .LBB1_6-.Ltmp1, $4  }
0x4c: {  	s18 =	smov.u32 s15;
	_ =	swait.ge @!p1 [sflag:s10], s0;
	s0 =	ssub.s32 @!p1 $0x0, s0  }
0x4d: {  	[sflag:s10] =	ssyncset.done @!p1 $0x0;
	s4 =	simm.s32 @p5 $0x0;
	s22 =	smov.u32 s12  }
0x4e: {  	s12 =	smov.u32 s17;
	s17 =	smov.u32 s28;
	[sflag:s10] =	ssyncadd.s32 @!p1 s0  }
0x4f: {  	s19 =	smov.u32 s4;
	s21 =	sadd.s32 $0x1, s21;
	s20 =	smov.u32 s29  }
.LBB1_1:
0x50: {  	p1 =	sge.u32 s21, s6  }
0x51: {  	s27 =	smul.u32 @!p1 $0xE4000, s20  }
0x52: {  	s28 =	sxor.u32 @!p1 $0xFFFFFFFF, s21  }
0x53: {  	s29 =	sshll.u32 @!p1 s19, $0xE;
	s30 =	sshll.u32 @!p1 s18, $0xC;
	s27 =	sadd.s32 @!p1 s3, s27  }
0x54: {  	s31 =	sshll.u32 @!p1 s16, $0x4;
	s28 =	sshll.u32 @!p1 s28, $0xC;
	s27 =	sadd.s32 @!p1 s29, s27  }
0x55: {  	s28 =	sand.u32 @!p1 $0x1000, s28;
	s29 =	sshll.u32 @!p1 s17, $0x6;
	s27 =	sadd.s32 @!p1 s30, s27  }
0x56: {  	s30 =	sand.u32 @!p1 $0x30, s31;
	s31 =	sadd.s32 $0xFFFFFFFF, s21;
	s27 =	sadd.s32 @!p1 s29, s27  }
0x57: {  	s29 =	simm.s32 @!p1 $0x40;
	s27 =	sadd.s32 @!p1 s30, s27;
	s30 =	simm.s32 @!p1 $0x200  }
0x58: {  	[tilespmem:s28], [sflag:$0x1] =	stream.strided.gather @!p1 [hbm4b:s27+s29], $0x1000, s30, s29, $0x38;
	[tilespmem:$0x4080] =	vst v63  }
0x59: {  	p1 =	sge.u32 s31, s6  }
.Ltmp2:
0x5a: {  	_ = 	snop;
	(pc) =	sbr.rel @p1 .LBB1_5-.Ltmp2, $1  }
0x5b: {  	_ =	sdelay $0x3  }
0x5c: {  	s27 =	simm.s32 $0x1  }
0x5d: {  	_ =	swait.ge [sflag:s5], $0x1000;
	s27 =	simm.s32 @!p0 $0x0  }
0x5e: {  	[sflag:s5] =	ssyncset.done $0x0;
	s28 =	sshll.u32 s27, $0xC  }
0x5f: {  	[sflag:s5] =	ssyncadd.s32 $0xFFFFF000;
	s31 =	sor.u32 $0x20, s28  }
0x60: {  	s27 =	smul.u32 $0x4100, s27;
	v3 =	vld [tilespmem:s31+$0x10]  }
0x61: {  	s28 =	sand.u32 $0x1, s21;
	v2 =	vld [tilespmem:s31+$0xFFFFFFF0]  }
0x62: {  	s27 =	sshrl.u32 s27, $0x2;
	s28 =	smul.u32 $0x4100, s28;
	v0 =	vld [tilespmem:s31+$0x0]  }
0x63: {  	v1 =	vld [tilespmem:s31+$0xFFFFFFE0];
	s29 =	sor.u32 $0x2000, s27  }
0x64: {  	s27 =	sshrl.u32 s28, $0x2;
	s28 =	sadd.s32 $0x0, s29  }
0x65: {  	s30 =	simm.s32 $0x4;
	s31 =	sadd.s32 $0x40, s31;
	s27 =	sor.u32 $0x2000, s27;
	[tilespmem:s28+$0xC30 ss:$0x41] =	vst.msk $0xffff, v3  }
.LBB1_3:
0x66: {  	v3 =	vld [tilespmem:s31+$0x10];
	p1 =	sne.s32 s30, $0xFC;
	[tilespmem:s28+$0x410 ss:$0x41] =	vst.msk $0xffff, v2;
	s0 =	smov.u32 s30;
	s30 =	sadd.s32 $0x4, s30  }
.Ltmp3:
0x67: {  	v2 =	vld [tilespmem:s31+$0xFFFFFFF0];
	[tilespmem:s28+$0x820 ss:$0x41] =	vst.msk $0xffff, v0;
	(pc) =	sbr.rel @p1 .LBB1_3-.Ltmp3, $4  }
0x68: {  	v0 =	vld [tilespmem:s31+$0x0];
	[tilespmem:s28+$0x0 ss:$0x41] =	vst.msk $0xffff, v1  }
0x69: {  	s0 =	sshra.s32 s0, $0x2;
	v1 =	vld [tilespmem:s31+$0xFFFFFFE0]  }
0x6a: {  	s28 =	sadd.s32 s0, s29  }
0x6b: {  	s31 =	sadd.s32 $0x40, s31;
	[tilespmem:s28+$0xC30 ss:$0x41] =	vst.msk $0xffff, v3  }
.Ltmp4:
0x6c: {  	_ = 	snop;
	(pc) =	sbr.rel .LBB1_4-.Ltmp4, $1  }
0x6d: {  	_ =	sdelay $0x3  }
.LBB1_6:
0x6e: {  	_ =	sfence.sel $0x180000  }
0x6f: {  	s0 =	simm.s32 $0x1;
	[bflag:$0x0] =	sbarrier.arrive $0xFFFF  }
0x70: {  	s30 =	simm.s32 $0x2;
	[sflag:s0] =	ssyncpa.u1 $0x1  }
0x71: {  	[sflag:s30] =	ssyncpa.u1 $0x1  }
0x72: {  	_ =	strace $0x90000047  }
0x73: {  	s31 =	stileid.u32;
	[bflag:$0x2] =	sbarrier.arrive $0xFFFF  }
0x74: {  	p0 =	sne.s32 s31, $0x0;
	s0 =	rddreg [dreg:$0x1]  }
0x75: {  	s0 =	sadd.s32 @!p0 $0x100000, s0  }
0x76: {  	[sflag:s0] =	ssyncadd.tile.s32 @!p0 $0x1;
	_ =	shalt  }
.Lfunc_end1:
_tile_overlayer_lowered:
.L_overlay_start_2:
0x77: {  	(tag) =	ssettag $0x2  }
0x78: {  	s0 =	rddreg [dreg:$0x0];
	s2 =	stileid.u32  }
0x79: {  	s1 =	rddreg [dreg:$0x1];
	p0 =	sne.s32 s2, $0x0  }
0x7a: {  	s3 =	rddreg [dreg:$0x2];
	[bflag:$0x3] =	sbarrier.arrive $0xFFFF;
	s2 =	simm.s32 @!p0 $0x1C01  }
0x7b: {  	[timem:s3], [sflag:s2] =	dma.local @!p0 [hbm:s0], s1  }
0x7c: {  	s0 =	simm.s32 @!p0 $0x1  }
0x7d: {  	_ =	swait.ge @!p0 [sflag:s0], s1  }
0x7e: {  	s1 =	ssub.s32 @!p0 $0x0, s1;
	[sflag:s0] =	ssyncset.done @!p0 $0x0  }
0x7f: {  	[sflag:s0] =	ssyncadd.s32 @!p0 s1  }
0x80: {  	[bflag:$0x3] =	sbarrier.arrive $0xFFFF  }
0x81: {  	_ =	shalt  }

</sc_bundles>
